<compile_context>
chip_gen: v7x
topology: tpu7x:2x2x1
jax: 0.10.2.dev20260603
libtpu: 0.0.44.dev20260713+nightly
codegen_flags: <defaults>
</compile_context>

<pallas_src>
import jax
import jax.numpy as jnp
from jax import lax
from jax.experimental import pallas as pl
from jax.experimental.pallas import tpu as pltpu
from jax.experimental.pallas import tpu_sc as plsc

N_CLS = 1000
D0, D1 = 4096, 20
NC, NS, L = 2, 16, 16
NW = NC * NS
SLAB = D0 // NW
CSEG = 200
NSEG = N_CLS // CSEG
N_CHUNKS = D1 * NSEG


def _sc_onehot(xt_hbm, z_hbm, out_hbm, xv, buf0, buf1, sem0, sem1):
    wid = lax.axis_index("s") * NC + lax.axis_index("c")
    d0_0 = wid * SLAB
    bufs = (buf0, buf1)
    sems = (sem0, sem1)

    h_x = pltpu.async_copy(xt_hbm.at[:, pl.ds(d0_0, SLAB)], xv, sem0)
    h_z0 = pltpu.async_copy(z_hbm, buf0, sem1)
    h_z1 = pltpu.async_copy(z_hbm, buf1, sem1)
    h_x.wait()
    h_z0.wait()
    h_z1.wait()

    iota = lax.iota(jnp.int32, L)
    zero16 = jnp.zeros((L,), jnp.int32)
    ones = jnp.full((L,), 1.0, jnp.float32)
    zeros = jnp.zeros((L,), jnp.float32)

    def _flats(k):
        d1, s = k // NSEG, k % NSEG
        out = []
        for j in range(SLAB // L):
            cols = xv[d1, pl.ds(j * L, L)]
            cl = cols - s * CSEG
            mask = (cl >= 0) & (cl < CSEG)
            out.append((cl, iota + j * L, mask))
        return out

    def _dst(k):
        d1, s = k // NSEG, k % NSEG
        return out_hbm.at[
            pl.ds(d1, 1), pl.ds(s * CSEG, CSEG), pl.ds(d0_0, SLAB)
        ]

    def _outer(o, _):
        for b in range(2):
            k = o * 2 + b
            buf = bufs[b]

            @pl.when(o > 0)
            def _drain():
                pltpu.make_async_copy(buf, _dst(k - 2), sems[b]).wait()
                for cl, d0l, mask in _flats(k - 2):
                    plsc.store_scatter(buf, [zero16, cl, d0l], zeros, mask=mask)

            for cl, d0l, mask in _flats(k):
                plsc.store_scatter(buf, [zero16, cl, d0l], ones, mask=mask)
            pltpu.async_copy(buf, _dst(k), sems[b])
        return 0

    lax.fori_loop(0, N_CHUNKS // 2, _outer, 0)
    for b in range(2):
        pltpu.make_async_copy(bufs[b], _dst(N_CHUNKS - 2 + b), sems[b]).wait()


def kernel(x):
    xt = jnp.transpose(x.astype(jnp.int32))
    zblk = jnp.zeros((1, CSEG, SLAB), jnp.float32)
    mesh = plsc.VectorSubcoreMesh(core_axis_name="c", subcore_axis_name="s")
    out = pl.kernel(
        _sc_onehot,
        out_type=jax.ShapeDtypeStruct((D1, N_CLS, D0), jnp.float32),
        mesh=mesh,
        scratch_types=[
            pltpu.VMEM((D1, SLAB), jnp.int32),
            pltpu.VMEM((1, CSEG, SLAB), jnp.float32),
            pltpu.VMEM((1, CSEG, SLAB), jnp.float32),
            pltpu.SemaphoreType.DMA,
            pltpu.SemaphoreType.DMA,
        ],
        compiler_params=pltpu.CompilerParams(needs_layout_passes=False),
    )(xt, zblk)
    return jnp.transpose(out, (2, 0, 1))

# --- scband reference (transcript-rebuilt; emitter-appended) ---
"""Pipeline reference for scband-one-hot-embedding-81819126989425 (READ-ONLY COPY).

The authoritative reference and input builder live on the scoring server;
editing this copy changes nothing except your own understanding.
"""

import jax, jax.numpy as jnp
import numpy as np

N_CLASSES = 1000

def setup_inputs(seed: int = 0) -> dict:
    key = jax.random.key(seed)
    x = jax.random.randint(key, (4096, 20), 0, N_CLASSES, dtype=jnp.int64)
    return {"x": x}

def reference(x) -> jnp.ndarray:
    # OneHotEmbedding: expand integer class ids into one-hot float vectors.
    # flatten_seq_method flattens leading dims, applies, and restores shape;
    # jax.nn.one_hot handles arbitrary leading dims identically.
    out = jax.nn.one_hot(x, N_CLASSES, dtype=jnp.float32)
    return out

if __name__ == "__main__":
    import jax
    _d = setup_inputs()
    print(jax.jit(kernel)(*tuple(_d.values())))

</pallas_src>

<mosaic_0001>
#map = affine_map<(d0, d1) -> (0, 0)>
#map1 = affine_map<(d0, d1) -> (0, 0, 0)>
module attributes {stable_mosaic.version = 14 : i64} {
  func.func @_sc_onehot(%arg0: i32, %arg1: i32, %arg2: memref<20x4096xi32, #tpu.memory_space<hbm>>, %arg3: memref<1x200x128xf32, #tpu.memory_space<hbm>>, %arg4: memref<20x1000x4096xf32, #tpu.memory_space<hbm>>, %arg5: memref<20x128xi32, #tpu.memory_space<vmem>>, %arg6: memref<1x200x128xf32, #tpu.memory_space<vmem>>, %arg7: memref<1x200x128xf32, #tpu.memory_space<vmem>>, %arg8: memref<!tpu.dma_semaphore, #tpu.memory_space<semaphore_mem>>, %arg9: memref<!tpu.dma_semaphore, #tpu.memory_space<semaphore_mem>>) attributes {dimension_semantics = [#tpu.dimension_semantics<core_parallel>, #tpu.dimension_semantics<subcore_parallel>], iteration_bounds = array<i64: 2, 16>, scalar_prefetch = 0 : i64, scratch_operands = 5 : i64, tpu.core_type = #tpu.core_type<sc_vector_subcore>, window_params = [{transform_indices = #map}, {transform_indices = #map1}, {transform_indices = #map1}]} {
    %mul3A = arith.constant 2 : i32
    %mul3A_0 = arith.muli %arg1, %mul3A : i32
    %add3A = arith.addi %mul3A_0, %arg0 : i32
    %mul3A_1 = arith.constant 128 : i32
    %mul3A_2 = arith.muli %add3A, %mul3A_1 : i32
    %dma_start3A = arith.constant 0 : i32
    %dma_start3A_3 = tpu.memref_slice %arg2[%dma_start3A, %mul3A_2] : memref<20x4096xi32, #tpu.memory_space<hbm>> -> memref<20x128xi32, #tpu.memory_space<hbm>>
    %dma_start3A_4 = arith.constant 0 : i32
    %dma_start3A_5 = tpu.memref_slice %arg2[%dma_start3A_4, %mul3A_2] : memref<20x4096xi32, #tpu.memory_space<hbm>> -> memref<20x128xi32, #tpu.memory_space<hbm>>
    tpu.enqueue_dma source(%dma_start3A_5 : memref<20x128xi32, #tpu.memory_space<hbm>>) target(%arg5 : memref<20x128xi32, #tpu.memory_space<vmem>>) target_semaphore(%arg8 : memref<!tpu.dma_semaphore, #tpu.memory_space<semaphore_mem>>)
    tpu.enqueue_dma source(%arg3 : memref<1x200x128xf32, #tpu.memory_space<hbm>>) target(%arg6 : memref<1x200x128xf32, #tpu.memory_space<vmem>>) target_semaphore(%arg9 : memref<!tpu.dma_semaphore, #tpu.memory_space<semaphore_mem>>)
    tpu.enqueue_dma source(%arg3 : memref<1x200x128xf32, #tpu.memory_space<hbm>>) target(%arg7 : memref<1x200x128xf32, #tpu.memory_space<vmem>>) target_semaphore(%arg9 : memref<!tpu.dma_semaphore, #tpu.memory_space<semaphore_mem>>)
    %dma_wait3A = arith.constant 0 : i32
    %dma_wait3A_6 = tpu.memref_slice %arg2[%dma_wait3A, %mul3A_2] : memref<20x4096xi32, #tpu.memory_space<hbm>> -> memref<20x128xi32, #tpu.memory_space<hbm>>
    %dma_wait3A_7 = arith.constant 0 : i32
    %dma_wait3A_8 = tpu.memref_slice %arg2[%dma_wait3A_7, %mul3A_2] : memref<20x4096xi32, #tpu.memory_space<hbm>> -> memref<20x128xi32, #tpu.memory_space<hbm>>
    tpu.wait_dma2 semaphore(%arg8 : memref<!tpu.dma_semaphore, #tpu.memory_space<semaphore_mem>>) src(%dma_wait3A_8 : memref<20x128xi32, #tpu.memory_space<hbm>>) dst(%arg5 : memref<20x128xi32, #tpu.memory_space<vmem>>)
    tpu.wait_dma2 semaphore(%arg9 : memref<!tpu.dma_semaphore, #tpu.memory_space<semaphore_mem>>) src(%arg3 : memref<1x200x128xf32, #tpu.memory_space<hbm>>) dst(%arg6 : memref<1x200x128xf32, #tpu.memory_space<vmem>>)
    tpu.wait_dma2 semaphore(%arg9 : memref<!tpu.dma_semaphore, #tpu.memory_space<semaphore_mem>>) src(%arg3 : memref<1x200x128xf32, #tpu.memory_space<hbm>>) dst(%arg7 : memref<1x200x128xf32, #tpu.memory_space<vmem>>)
    %iota3A = tpu.iota {dimensions = array<i32: 0>} : vector<16xi32>
    %broadcast_in_dim3A = arith.constant 0 : i32
    %broadcast_in_dim3A_9 = vector.broadcast %broadcast_in_dim3A : i32 to vector<16xi32>
    %broadcast_in_dim3A_10 = arith.constant 1.000000e+00 : f32
    %broadcast_in_dim3A_11 = vector.broadcast %broadcast_in_dim3A_10 : f32 to vector<16xf32>
    %broadcast_in_dim3A_12 = arith.constant 0.000000e+00 : f32
    %broadcast_in_dim3A_13 = vector.broadcast %broadcast_in_dim3A_12 : f32 to vector<16xf32>
    %scan3A = arith.constant 0 : i32
    %scan3A_14 = arith.constant 0 : i32
    %scan3A_15 = arith.constant 50 : i32
    %scan3A_16 = arith.addi %scan3A_14, %scan3A_15 : i32
    %scan3A_17 = arith.constant 1 : i32
    %scan3A_18 = scf.for %scan3A_32 = %scan3A_14 to %scan3A_16 step %scan3A_17 iter_args(%scan3A_33 = %scan3A) -> (i32)  : i32 {
      %mul3A_34 = arith.constant 2 : i32
      %mul3A_35 = arith.muli %scan3A_32, %mul3A_34 : i32
      %add3A_36 = arith.constant 0 : i32
      %add3A_37 = arith.addi %mul3A_35, %add3A_36 : i32
      %gt3A = arith.constant 0 : i32
      %gt3A_38 = arith.cmpi sgt, %scan3A_32, %gt3A : i32
      %convert_element_type3A = arith.extui %gt3A_38 : i1 to i32
      %cond3A = arith.constant 0 : i32
      %cond3A_39 = arith.cmpi ne, %convert_element_type3A, %cond3A : i32
      scf.if %cond3A_39 {
        %sub3A_478 = arith.constant 2 : i32
        %sub3A_479 = arith.subi %add3A_37, %sub3A_478 : i32
        %jit3A_480 = arith.constant 5 : i32
        %div3A_481 = arith.divsi %sub3A_479, %jit3A_480 : i32
        %sign3A_482 = arith.constant 0 : i32
        %sign3A_483 = arith.cmpi sgt, %sub3A_479, %sign3A_482 : i32
        %sign3A_484 = arith.extui %sign3A_483 : i1 to i32
        %sign3A_485 = arith.constant 0 : i32
        %sign3A_486 = arith.cmpi slt, %sub3A_479, %sign3A_485 : i32
        %sign3A_487 = arith.extui %sign3A_486 : i1 to i32
        %sign3A_488 = arith.subi %sign3A_484, %sign3A_487 : i32
        %sign3A_489 = arith.constant 0 : i32
        %sign3A_490 = arith.cmpi sgt, %jit3A_480, %sign3A_489 : i32
        %sign3A_491 = arith.extui %sign3A_490 : i1 to i32
        %sign3A_492 = arith.constant 0 : i32
        %sign3A_493 = arith.cmpi slt, %jit3A_480, %sign3A_492 : i32
        %sign3A_494 = arith.extui %sign3A_493 : i1 to i32
        %sign3A_495 = arith.subi %sign3A_491, %sign3A_494 : i32
        %ne3A_496 = arith.cmpi ne, %sign3A_488, %sign3A_495 : i32
        %rem3A_497 = arith.remsi %sub3A_479, %jit3A_480 : i32
        %ne3A_498 = arith.constant 0 : i32
        %ne3A_499 = arith.cmpi ne, %rem3A_497, %ne3A_498 : i32
        %and3A_500 = arith.andi %ne3A_496, %ne3A_499 : i1
        %sub3A_501 = arith.constant 1 : i32
        %sub3A_502 = arith.subi %div3A_481, %sub3A_501 : i32
        %select_n3A_503 = arith.select %and3A_500, %sub3A_502, %div3A_481 : i32
        %jit3A_504 = arith.constant 5 : i32
        %eq3A_505 = arith.constant 0 : i32
        %eq3A_506 = arith.cmpi eq, %jit3A_504, %eq3A_505 : i32
        %jit3A_507 = arith.constant 1 : i32
        %select_n3A_508 = arith.select %eq3A_506, %jit3A_507, %jit3A_504 : i32
        %rem3A_509 = arith.remsi %sub3A_479, %select_n3A_508 : i32
        %ne3A_510 = arith.constant 0 : i32
        %ne3A_511 = arith.cmpi ne, %rem3A_509, %ne3A_510 : i32
        %lt3A_512 = arith.constant 0 : i32
        %lt3A_513 = arith.cmpi slt, %rem3A_509, %lt3A_512 : i32
        %lt3A_514 = arith.constant 0 : i32
        %lt3A_515 = arith.cmpi slt, %select_n3A_508, %lt3A_514 : i32
        %ne3A_516 = arith.xori %lt3A_513, %lt3A_515 : i1
        %and3A_517 = arith.andi %ne3A_516, %ne3A_511 : i1
        %add3A_518 = arith.addi %rem3A_509, %select_n3A_508 : i32
        %select_n3A_519 = arith.select %and3A_517, %add3A_518, %rem3A_509 : i32
        %mul3A_520 = arith.constant 200 : i32
        %mul3A_521 = arith.muli %select_n3A_519, %mul3A_520 : i32
        %dma_wait3A_522 = tpu.memref_slice %arg4[%select_n3A_503, %mul3A_521, %mul3A_2] : memref<20x1000x4096xf32, #tpu.memory_space<hbm>> -> memref<1x200x128xf32, #tpu.memory_space<hbm>>
        %dma_wait3A_523 = tpu.memref_slice %arg4[%select_n3A_503, %mul3A_521, %mul3A_2] : memref<20x1000x4096xf32, #tpu.memory_space<hbm>> -> memref<1x200x128xf32, #tpu.memory_space<hbm>>
        tpu.wait_dma2 semaphore(%arg8 : memref<!tpu.dma_semaphore, #tpu.memory_space<semaphore_mem>>) src(%arg6 : memref<1x200x128xf32, #tpu.memory_space<vmem>>) dst(%dma_wait3A_523 : memref<1x200x128xf32, #tpu.memory_space<hbm>>)
        %sub3A_524 = arith.constant 2 : i32
        %sub3A_525 = arith.subi %add3A_37, %sub3A_524 : i32
        %jit3A_526 = arith.constant 5 : i32
        %div3A_527 = arith.divsi %sub3A_525, %jit3A_526 : i32
        %sign3A_528 = arith.constant 0 : i32
        %sign3A_529 = arith.cmpi sgt, %sub3A_525, %sign3A_528 : i32
        %sign3A_530 = arith.extui %sign3A_529 : i1 to i32
        %sign3A_531 = arith.constant 0 : i32
        %sign3A_532 = arith.cmpi slt, %sub3A_525, %sign3A_531 : i32
        %sign3A_533 = arith.extui %sign3A_532 : i1 to i32
        %sign3A_534 = arith.subi %sign3A_530, %sign3A_533 : i32
        %sign3A_535 = arith.constant 0 : i32
        %sign3A_536 = arith.cmpi sgt, %jit3A_526, %sign3A_535 : i32
        %sign3A_537 = arith.extui %sign3A_536 : i1 to i32
        %sign3A_538 = arith.constant 0 : i32
        %sign3A_539 = arith.cmpi slt, %jit3A_526, %sign3A_538 : i32
        %sign3A_540 = arith.extui %sign3A_539 : i1 to i32
        %sign3A_541 = arith.subi %sign3A_537, %sign3A_540 : i32
        %ne3A_542 = arith.cmpi ne, %sign3A_534, %sign3A_541 : i32
        %rem3A_543 = arith.remsi %sub3A_525, %jit3A_526 : i32
        %ne3A_544 = arith.constant 0 : i32
        %ne3A_545 = arith.cmpi ne, %rem3A_543, %ne3A_544 : i32
        %and3A_546 = arith.andi %ne3A_542, %ne3A_545 : i1
        %sub3A_547 = arith.constant 1 : i32
        %sub3A_548 = arith.subi %div3A_527, %sub3A_547 : i32
        %select_n3A_549 = arith.select %and3A_546, %sub3A_548, %div3A_527 : i32
        %jit3A_550 = arith.constant 5 : i32
        %eq3A_551 = arith.constant 0 : i32
        %eq3A_552 = arith.cmpi eq, %jit3A_550, %eq3A_551 : i32
        %jit3A_553 = arith.constant 1 : i32
        %select_n3A_554 = arith.select %eq3A_552, %jit3A_553, %jit3A_550 : i32
        %rem3A_555 = arith.remsi %sub3A_525, %select_n3A_554 : i32
        %ne3A_556 = arith.constant 0 : i32
        %ne3A_557 = arith.cmpi ne, %rem3A_555, %ne3A_556 : i32
        %lt3A_558 = arith.constant 0 : i32
        %lt3A_559 = arith.cmpi slt, %rem3A_555, %lt3A_558 : i32
        %lt3A_560 = arith.constant 0 : i32
        %lt3A_561 = arith.cmpi slt, %select_n3A_554, %lt3A_560 : i32
        %ne3A_562 = arith.xori %lt3A_559, %lt3A_561 : i1
        %and3A_563 = arith.andi %ne3A_562, %ne3A_557 : i1
        %add3A_564 = arith.addi %rem3A_555, %select_n3A_554 : i32
        %select_n3A_565 = arith.select %and3A_563, %add3A_564, %rem3A_555 : i32
        %get3A_566 = arith.index_cast %select_n3A_549 : i32 to index
        %get3A_567 = arith.constant 0 : index
        %get3A_568 = tpu.vector_load %arg5[%get3A_566, %get3A_567] {strides = array<i32>} : memref<20x128xi32, #tpu.memory_space<vmem>>, vector<16xi32>,
        %mul3A_569 = arith.constant 200 : i32
        %mul3A_570 = arith.muli %select_n3A_565, %mul3A_569 : i32
        %sub3A_571 = vector.broadcast %mul3A_570 : i32 to vector<16xi32>
        %sub3A_572 = arith.subi %get3A_568, %sub3A_571 : vector<16xi32>
        %ge3A_573 = arith.constant 0 : i32
        %ge3A_574 = vector.broadcast %ge3A_573 : i32 to vector<16xi32>
        %ge3A_575 = arith.cmpi sge, %sub3A_572, %ge3A_574 : vector<16xi32>
        %lt3A_576 = arith.constant 200 : i32
        %lt3A_577 = vector.broadcast %lt3A_576 : i32 to vector<16xi32>
        %lt3A_578 = arith.cmpi slt, %sub3A_572, %lt3A_577 : vector<16xi32>
        %and3A_579 = arith.andi %ge3A_575, %lt3A_578 : vector<16xi1>
        %add3A_580 = arith.constant 0 : i32
        %add3A_581 = vector.broadcast %add3A_580 : i32 to vector<16xi32>
        %add3A_582 = arith.addi %iota3A, %add3A_581 : vector<16xi32>
        %get3A_583 = arith.index_cast %select_n3A_549 : i32 to index
        %get3A_584 = arith.constant 16 : index
        %get3A_585 = tpu.vector_load %arg5[%get3A_583, %get3A_584] {strides = array<i32>} : memref<20x128xi32, #tpu.memory_space<vmem>>, vector<16xi32>,
        %mul3A_586 = arith.constant 200 : i32
        %mul3A_587 = arith.muli %select_n3A_565, %mul3A_586 : i32
        %sub3A_588 = vector.broadcast %mul3A_587 : i32 to vector<16xi32>
        %sub3A_589 = arith.subi %get3A_585, %sub3A_588 : vector<16xi32>
        %ge3A_590 = arith.constant 0 : i32
        %ge3A_591 = vector.broadcast %ge3A_590 : i32 to vector<16xi32>
        %ge3A_592 = arith.cmpi sge, %sub3A_589, %ge3A_591 : vector<16xi32>
        %lt3A_593 = arith.constant 200 : i32
        %lt3A_594 = vector.broadcast %lt3A_593 : i32 to vector<16xi32>
        %lt3A_595 = arith.cmpi slt, %sub3A_589, %lt3A_594 : vector<16xi32>
        %and3A_596 = arith.andi %ge3A_592, %lt3A_595 : vector<16xi1>
        %add3A_597 = arith.constant 16 : i32
        %add3A_598 = vector.broadcast %add3A_597 : i32 to vector<16xi32>
        %add3A_599 = arith.addi %iota3A, %add3A_598 : vector<16xi32>
        %get3A_600 = arith.index_cast %select_n3A_549 : i32 to index
        %get3A_601 = arith.constant 32 : index
        %get3A_602 = tpu.vector_load %arg5[%get3A_600, %get3A_601] {strides = array<i32>} : memref<20x128xi32, #tpu.memory_space<vmem>>, vector<16xi32>,
        %mul3A_603 = arith.constant 200 : i32
        %mul3A_604 = arith.muli %select_n3A_565, %mul3A_603 : i32
        %sub3A_605 = vector.broadcast %mul3A_604 : i32 to vector<16xi32>
        %sub3A_606 = arith.subi %get3A_602, %sub3A_605 : vector<16xi32>
        %ge3A_607 = arith.constant 0 : i32
        %ge3A_608 = vector.broadcast %ge3A_607 : i32 to vector<16xi32>
        %ge3A_609 = arith.cmpi sge, %sub3A_606, %ge3A_608 : vector<16xi32>
        %lt3A_610 = arith.constant 200 : i32
        %lt3A_611 = vector.broadcast %lt3A_610 : i32 to vector<16xi32>
        %lt3A_612 = arith.cmpi slt, %sub3A_606, %lt3A_611 : vector<16xi32>
        %and3A_613 = arith.andi %ge3A_609, %lt3A_612 : vector<16xi1>
        %add3A_614 = arith.constant 32 : i32
        %add3A_615 = vector.broadcast %add3A_614 : i32 to vector<16xi32>
        %add3A_616 = arith.addi %iota3A, %add3A_615 : vector<16xi32>
        %get3A_617 = arith.index_cast %select_n3A_549 : i32 to index
        %get3A_618 = arith.constant 48 : index
        %get3A_619 = tpu.vector_load %arg5[%get3A_617, %get3A_618] {strides = array<i32>} : memref<20x128xi32, #tpu.memory_space<vmem>>, vector<16xi32>,
        %mul3A_620 = arith.constant 200 : i32
        %mul3A_621 = arith.muli %select_n3A_565, %mul3A_620 : i32
        %sub3A_622 = vector.broadcast %mul3A_621 : i32 to vector<16xi32>
        %sub3A_623 = arith.subi %get3A_619, %sub3A_622 : vector<16xi32>
        %ge3A_624 = arith.constant 0 : i32
        %ge3A_625 = vector.broadcast %ge3A_624 : i32 to vector<16xi32>
        %ge3A_626 = arith.cmpi sge, %sub3A_623, %ge3A_625 : vector<16xi32>
        %lt3A_627 = arith.constant 200 : i32
        %lt3A_628 = vector.broadcast %lt3A_627 : i32 to vector<16xi32>
        %lt3A_629 = arith.cmpi slt, %sub3A_623, %lt3A_628 : vector<16xi32>
        %and3A_630 = arith.andi %ge3A_626, %lt3A_629 : vector<16xi1>
        %add3A_631 = arith.constant 48 : i32
        %add3A_632 = vector.broadcast %add3A_631 : i32 to vector<16xi32>
        %add3A_633 = arith.addi %iota3A, %add3A_632 : vector<16xi32>
        %get3A_634 = arith.index_cast %select_n3A_549 : i32 to index
        %get3A_635 = arith.constant 64 : index
        %get3A_636 = tpu.vector_load %arg5[%get3A_634, %get3A_635] {strides = array<i32>} : memref<20x128xi32, #tpu.memory_space<vmem>>, vector<16xi32>,
        %mul3A_637 = arith.constant 200 : i32
        %mul3A_638 = arith.muli %select_n3A_565, %mul3A_637 : i32
        %sub3A_639 = vector.broadcast %mul3A_638 : i32 to vector<16xi32>
        %sub3A_640 = arith.subi %get3A_636, %sub3A_639 : vector<16xi32>
        %ge3A_641 = arith.constant 0 : i32
        %ge3A_642 = vector.broadcast %ge3A_641 : i32 to vector<16xi32>
        %ge3A_643 = arith.cmpi sge, %sub3A_640, %ge3A_642 : vector<16xi32>
        %lt3A_644 = arith.constant 200 : i32
        %lt3A_645 = vector.broadcast %lt3A_644 : i32 to vector<16xi32>
        %lt3A_646 = arith.cmpi slt, %sub3A_640, %lt3A_645 : vector<16xi32>
        %and3A_647 = arith.andi %ge3A_643, %lt3A_646 : vector<16xi1>
        %add3A_648 = arith.constant 64 : i32
        %add3A_649 = vector.broadcast %add3A_648 : i32 to vector<16xi32>
        %add3A_650 = arith.addi %iota3A, %add3A_649 : vector<16xi32>
        %get3A_651 = arith.index_cast %select_n3A_549 : i32 to index
        %get3A_652 = arith.constant 80 : index
        %get3A_653 = tpu.vector_load %arg5[%get3A_651, %get3A_652] {strides = array<i32>} : memref<20x128xi32, #tpu.memory_space<vmem>>, vector<16xi32>,
        %mul3A_654 = arith.constant 200 : i32
        %mul3A_655 = arith.muli %select_n3A_565, %mul3A_654 : i32
        %sub3A_656 = vector.broadcast %mul3A_655 : i32 to vector<16xi32>
        %sub3A_657 = arith.subi %get3A_653, %sub3A_656 : vector<16xi32>
        %ge3A_658 = arith.constant 0 : i32
        %ge3A_659 = vector.broadcast %ge3A_658 : i32 to vector<16xi32>
        %ge3A_660 = arith.cmpi sge, %sub3A_657, %ge3A_659 : vector<16xi32>
        %lt3A_661 = arith.constant 200 : i32
        %lt3A_662 = vector.broadcast %lt3A_661 : i32 to vector<16xi32>
        %lt3A_663 = arith.cmpi slt, %sub3A_657, %lt3A_662 : vector<16xi32>
        %and3A_664 = arith.andi %ge3A_660, %lt3A_663 : vector<16xi1>
        %add3A_665 = arith.constant 80 : i32
        %add3A_666 = vector.broadcast %add3A_665 : i32 to vector<16xi32>
        %add3A_667 = arith.addi %iota3A, %add3A_666 : vector<16xi32>
        %get3A_668 = arith.index_cast %select_n3A_549 : i32 to index
        %get3A_669 = arith.constant 96 : index
        %get3A_670 = tpu.vector_load %arg5[%get3A_668, %get3A_669] {strides = array<i32>} : memref<20x128xi32, #tpu.memory_space<vmem>>, vector<16xi32>,
        %mul3A_671 = arith.constant 200 : i32
        %mul3A_672 = arith.muli %select_n3A_565, %mul3A_671 : i32
        %sub3A_673 = vector.broadcast %mul3A_672 : i32 to vector<16xi32>
        %sub3A_674 = arith.subi %get3A_670, %sub3A_673 : vector<16xi32>
        %ge3A_675 = arith.constant 0 : i32
        %ge3A_676 = vector.broadcast %ge3A_675 : i32 to vector<16xi32>
        %ge3A_677 = arith.cmpi sge, %sub3A_674, %ge3A_676 : vector<16xi32>
        %lt3A_678 = arith.constant 200 : i32
        %lt3A_679 = vector.broadcast %lt3A_678 : i32 to vector<16xi32>
        %lt3A_680 = arith.cmpi slt, %sub3A_674, %lt3A_679 : vector<16xi32>
        %and3A_681 = arith.andi %ge3A_677, %lt3A_680 : vector<16xi1>
        %add3A_682 = arith.constant 96 : i32
        %add3A_683 = vector.broadcast %add3A_682 : i32 to vector<16xi32>
        %add3A_684 = arith.addi %iota3A, %add3A_683 : vector<16xi32>
        %get3A_685 = arith.index_cast %select_n3A_549 : i32 to index
        %get3A_686 = arith.constant 112 : index
        %get3A_687 = tpu.vector_load %arg5[%get3A_685, %get3A_686] {strides = array<i32>} : memref<20x128xi32, #tpu.memory_space<vmem>>, vector<16xi32>,
        %mul3A_688 = arith.constant 200 : i32
        %mul3A_689 = arith.muli %select_n3A_565, %mul3A_688 : i32
        %sub3A_690 = vector.broadcast %mul3A_689 : i32 to vector<16xi32>
        %sub3A_691 = arith.subi %get3A_687, %sub3A_690 : vector<16xi32>
        %ge3A_692 = arith.constant 0 : i32
        %ge3A_693 = vector.broadcast %ge3A_692 : i32 to vector<16xi32>
        %ge3A_694 = arith.cmpi sge, %sub3A_691, %ge3A_693 : vector<16xi32>
        %lt3A_695 = arith.constant 200 : i32
        %lt3A_696 = vector.broadcast %lt3A_695 : i32 to vector<16xi32>
        %lt3A_697 = arith.cmpi slt, %sub3A_691, %lt3A_696 : vector<16xi32>
        %and3A_698 = arith.andi %ge3A_694, %lt3A_697 : vector<16xi1>
        %add3A_699 = arith.constant 112 : i32
        %add3A_700 = vector.broadcast %add3A_699 : i32 to vector<16xi32>
        %add3A_701 = arith.addi %iota3A, %add3A_700 : vector<16xi32>
        tpu.vector_store_idx %arg6[%broadcast_in_dim3A_9, %sub3A_572, %add3A_582], %broadcast_in_dim3A_13 masked %and3A_579 : memref<1x200x128xf32, #tpu.memory_space<vmem>>[vector<16xi32>, vector<16xi32>, vector<16xi32>], vector<16xf32>, vector<16xi1>
        tpu.vector_store_idx %arg6[%broadcast_in_dim3A_9, %sub3A_589, %add3A_599], %broadcast_in_dim3A_13 masked %and3A_596 : memref<1x200x128xf32, #tpu.memory_space<vmem>>[vector<16xi32>, vector<16xi32>, vector<16xi32>], vector<16xf32>, vector<16xi1>
        tpu.vector_store_idx %arg6[%broadcast_in_dim3A_9, %sub3A_606, %add3A_616], %broadcast_in_dim3A_13 masked %and3A_613 : memref<1x200x128xf32, #tpu.memory_space<vmem>>[vector<16xi32>, vector<16xi32>, vector<16xi32>], vector<16xf32>, vector<16xi1>
        tpu.vector_store_idx %arg6[%broadcast_in_dim3A_9, %sub3A_623, %add3A_633], %broadcast_in_dim3A_13 masked %and3A_630 : memref<1x200x128xf32, #tpu.memory_space<vmem>>[vector<16xi32>, vector<16xi32>, vector<16xi32>], vector<16xf32>, vector<16xi1>
        tpu.vector_store_idx %arg6[%broadcast_in_dim3A_9, %sub3A_640, %add3A_650], %broadcast_in_dim3A_13 masked %and3A_647 : memref<1x200x128xf32, #tpu.memory_space<vmem>>[vector<16xi32>, vector<16xi32>, vector<16xi32>], vector<16xf32>, vector<16xi1>
        tpu.vector_store_idx %arg6[%broadcast_in_dim3A_9, %sub3A_657, %add3A_667], %broadcast_in_dim3A_13 masked %and3A_664 : memref<1x200x128xf32, #tpu.memory_space<vmem>>[vector<16xi32>, vector<16xi32>, vector<16xi32>], vector<16xf32>, vector<16xi1>
        tpu.vector_store_idx %arg6[%broadcast_in_dim3A_9, %sub3A_674, %add3A_684], %broadcast_in_dim3A_13 masked %and3A_681 : memref<1x200x128xf32, #tpu.memory_space<vmem>>[vector<16xi32>, vector<16xi32>, vector<16xi32>], vector<16xf32>, vector<16xi1>
        tpu.vector_store_idx %arg6[%broadcast_in_dim3A_9, %sub3A_691, %add3A_701], %broadcast_in_dim3A_13 masked %and3A_698 : memref<1x200x128xf32, #tpu.memory_space<vmem>>[vector<16xi32>, vector<16xi32>, vector<16xi32>], vector<16xf32>, vector<16xi1>
      } else {
      }
      %jit3A = arith.constant 5 : i32
      %div3A = arith.divsi %add3A_37, %jit3A : i32
      %sign3A = arith.constant 0 : i32
      %sign3A_40 = arith.cmpi sgt, %add3A_37, %sign3A : i32
      %sign3A_41 = arith.extui %sign3A_40 : i1 to i32
      %sign3A_42 = arith.constant 0 : i32
      %sign3A_43 = arith.cmpi slt, %add3A_37, %sign3A_42 : i32
      %sign3A_44 = arith.extui %sign3A_43 : i1 to i32
      %sign3A_45 = arith.subi %sign3A_41, %sign3A_44 : i32
      %sign3A_46 = arith.constant 0 : i32
      %sign3A_47 = arith.cmpi sgt, %jit3A, %sign3A_46 : i32
      %sign3A_48 = arith.extui %sign3A_47 : i1 to i32
      %sign3A_49 = arith.constant 0 : i32
      %sign3A_50 = arith.cmpi slt, %jit3A, %sign3A_49 : i32
      %sign3A_51 = arith.extui %sign3A_50 : i1 to i32
      %sign3A_52 = arith.subi %sign3A_48, %sign3A_51 : i32
      %ne3A = arith.cmpi ne, %sign3A_45, %sign3A_52 : i32
      %rem3A = arith.remsi %add3A_37, %jit3A : i32
      %ne3A_53 = arith.constant 0 : i32
      %ne3A_54 = arith.cmpi ne, %rem3A, %ne3A_53 : i32
      %and3A = arith.andi %ne3A, %ne3A_54 : i1
      %sub3A = arith.constant 1 : i32
      %sub3A_55 = arith.subi %div3A, %sub3A : i32
      %select_n3A = arith.select %and3A, %sub3A_55, %div3A : i32
      %jit3A_56 = arith.constant 5 : i32
      %eq3A = arith.constant 0 : i32
      %eq3A_57 = arith.cmpi eq, %jit3A_56, %eq3A : i32
      %jit3A_58 = arith.constant 1 : i32
      %select_n3A_59 = arith.select %eq3A_57, %jit3A_58, %jit3A_56 : i32
      %rem3A_60 = arith.remsi %add3A_37, %select_n3A_59 : i32
      %ne3A_61 = arith.constant 0 : i32
      %ne3A_62 = arith.cmpi ne, %rem3A_60, %ne3A_61 : i32
      %lt3A = arith.constant 0 : i32
      %lt3A_63 = arith.cmpi slt, %rem3A_60, %lt3A : i32
      %lt3A_64 = arith.constant 0 : i32
      %lt3A_65 = arith.cmpi slt, %select_n3A_59, %lt3A_64 : i32
      %ne3A_66 = arith.xori %lt3A_63, %lt3A_65 : i1
      %and3A_67 = arith.andi %ne3A_66, %ne3A_62 : i1
      %add3A_68 = arith.addi %rem3A_60, %select_n3A_59 : i32
      %select_n3A_69 = arith.select %and3A_67, %add3A_68, %rem3A_60 : i32
      %get3A = arith.index_cast %select_n3A : i32 to index
      %get3A_70 = arith.constant 0 : index
      %get3A_71 = tpu.vector_load %arg5[%get3A, %get3A_70] {strides = array<i32>} : memref<20x128xi32, #tpu.memory_space<vmem>>, vector<16xi32>,
      %mul3A_72 = arith.constant 200 : i32
      %mul3A_73 = arith.muli %select_n3A_69, %mul3A_72 : i32
      %sub3A_74 = vector.broadcast %mul3A_73 : i32 to vector<16xi32>
      %sub3A_75 = arith.subi %get3A_71, %sub3A_74 : vector<16xi32>
      %ge3A = arith.constant 0 : i32
      %ge3A_76 = vector.broadcast %ge3A : i32 to vector<16xi32>
      %ge3A_77 = arith.cmpi sge, %sub3A_75, %ge3A_76 : vector<16xi32>
      %lt3A_78 = arith.constant 200 : i32
      %lt3A_79 = vector.broadcast %lt3A_78 : i32 to vector<16xi32>
      %lt3A_80 = arith.cmpi slt, %sub3A_75, %lt3A_79 : vector<16xi32>
      %and3A_81 = arith.andi %ge3A_77, %lt3A_80 : vector<16xi1>
      %add3A_82 = arith.constant 0 : i32
      %add3A_83 = vector.broadcast %add3A_82 : i32 to vector<16xi32>
      %add3A_84 = arith.addi %iota3A, %add3A_83 : vector<16xi32>
      %get3A_85 = arith.index_cast %select_n3A : i32 to index
      %get3A_86 = arith.constant 16 : index
      %get3A_87 = tpu.vector_load %arg5[%get3A_85, %get3A_86] {strides = array<i32>} : memref<20x128xi32, #tpu.memory_space<vmem>>, vector<16xi32>,
      %mul3A_88 = arith.constant 200 : i32
      %mul3A_89 = arith.muli %select_n3A_69, %mul3A_88 : i32
      %sub3A_90 = vector.broadcast %mul3A_89 : i32 to vector<16xi32>
      %sub3A_91 = arith.subi %get3A_87, %sub3A_90 : vector<16xi32>
      %ge3A_92 = arith.constant 0 : i32
      %ge3A_93 = vector.broadcast %ge3A_92 : i32 to vector<16xi32>
      %ge3A_94 = arith.cmpi sge, %sub3A_91, %ge3A_93 : vector<16xi32>
      %lt3A_95 = arith.constant 200 : i32
      %lt3A_96 = vector.broadcast %lt3A_95 : i32 to vector<16xi32>
      %lt3A_97 = arith.cmpi slt, %sub3A_91, %lt3A_96 : vector<16xi32>
      %and3A_98 = arith.andi %ge3A_94, %lt3A_97 : vector<16xi1>
      %add3A_99 = arith.constant 16 : i32
      %add3A_100 = vector.broadcast %add3A_99 : i32 to vector<16xi32>
      %add3A_101 = arith.addi %iota3A, %add3A_100 : vector<16xi32>
      %get3A_102 = arith.index_cast %select_n3A : i32 to index
      %get3A_103 = arith.constant 32 : index
      %get3A_104 = tpu.vector_load %arg5[%get3A_102, %get3A_103] {strides = array<i32>} : memref<20x128xi32, #tpu.memory_space<vmem>>, vector<16xi32>,
      %mul3A_105 = arith.constant 200 : i32
      %mul3A_106 = arith.muli %select_n3A_69, %mul3A_105 : i32
      %sub3A_107 = vector.broadcast %mul3A_106 : i32 to vector<16xi32>
      %sub3A_108 = arith.subi %get3A_104, %sub3A_107 : vector<16xi32>
      %ge3A_109 = arith.constant 0 : i32
      %ge3A_110 = vector.broadcast %ge3A_109 : i32 to vector<16xi32>
      %ge3A_111 = arith.cmpi sge, %sub3A_108, %ge3A_110 : vector<16xi32>
      %lt3A_112 = arith.constant 200 : i32
      %lt3A_113 = vector.broadcast %lt3A_112 : i32 to vector<16xi32>
      %lt3A_114 = arith.cmpi slt, %sub3A_108, %lt3A_113 : vector<16xi32>
      %and3A_115 = arith.andi %ge3A_111, %lt3A_114 : vector<16xi1>
      %add3A_116 = arith.constant 32 : i32
      %add3A_117 = vector.broadcast %add3A_116 : i32 to vector<16xi32>
      %add3A_118 = arith.addi %iota3A, %add3A_117 : vector<16xi32>
      %get3A_119 = arith.index_cast %select_n3A : i32 to index
      %get3A_120 = arith.constant 48 : index
      %get3A_121 = tpu.vector_load %arg5[%get3A_119, %get3A_120] {strides = array<i32>} : memref<20x128xi32, #tpu.memory_space<vmem>>, vector<16xi32>,
      %mul3A_122 = arith.constant 200 : i32
      %mul3A_123 = arith.muli %select_n3A_69, %mul3A_122 : i32
      %sub3A_124 = vector.broadcast %mul3A_123 : i32 to vector<16xi32>
      %sub3A_125 = arith.subi %get3A_121, %sub3A_124 : vector<16xi32>
      %ge3A_126 = arith.constant 0 : i32
      %ge3A_127 = vector.broadcast %ge3A_126 : i32 to vector<16xi32>
      %ge3A_128 = arith.cmpi sge, %sub3A_125, %ge3A_127 : vector<16xi32>
      %lt3A_129 = arith.constant 200 : i32
      %lt3A_130 = vector.broadcast %lt3A_129 : i32 to vector<16xi32>
      %lt3A_131 = arith.cmpi slt, %sub3A_125, %lt3A_130 : vector<16xi32>
      %and3A_132 = arith.andi %ge3A_128, %lt3A_131 : vector<16xi1>
      %add3A_133 = arith.constant 48 : i32
      %add3A_134 = vector.broadcast %add3A_133 : i32 to vector<16xi32>
      %add3A_135 = arith.addi %iota3A, %add3A_134 : vector<16xi32>
      %get3A_136 = arith.index_cast %select_n3A : i32 to index
      %get3A_137 = arith.constant 64 : index
      %get3A_138 = tpu.vector_load %arg5[%get3A_136, %get3A_137] {strides = array<i32>} : memref<20x128xi32, #tpu.memory_space<vmem>>, vector<16xi32>,
      %mul3A_139 = arith.constant 200 : i32
      %mul3A_140 = arith.muli %select_n3A_69, %mul3A_139 : i32
      %sub3A_141 = vector.broadcast %mul3A_140 : i32 to vector<16xi32>
      %sub3A_142 = arith.subi %get3A_138, %sub3A_141 : vector<16xi32>
      %ge3A_143 = arith.constant 0 : i32
      %ge3A_144 = vector.broadcast %ge3A_143 : i32 to vector<16xi32>
      %ge3A_145 = arith.cmpi sge, %sub3A_142, %ge3A_144 : vector<16xi32>
      %lt3A_146 = arith.constant 200 : i32
      %lt3A_147 = vector.broadcast %lt3A_146 : i32 to vector<16xi32>
      %lt3A_148 = arith.cmpi slt, %sub3A_142, %lt3A_147 : vector<16xi32>
      %and3A_149 = arith.andi %ge3A_145, %lt3A_148 : vector<16xi1>
      %add3A_150 = arith.constant 64 : i32
      %add3A_151 = vector.broadcast %add3A_150 : i32 to vector<16xi32>
      %add3A_152 = arith.addi %iota3A, %add3A_151 : vector<16xi32>
      %get3A_153 = arith.index_cast %select_n3A : i32 to index
      %get3A_154 = arith.constant 80 : index
      %get3A_155 = tpu.vector_load %arg5[%get3A_153, %get3A_154] {strides = array<i32>} : memref<20x128xi32, #tpu.memory_space<vmem>>, vector<16xi32>,
      %mul3A_156 = arith.constant 200 : i32
      %mul3A_157 = arith.muli %select_n3A_69, %mul3A_156 : i32
      %sub3A_158 = vector.broadcast %mul3A_157 : i32 to vector<16xi32>
      %sub3A_159 = arith.subi %get3A_155, %sub3A_158 : vector<16xi32>
      %ge3A_160 = arith.constant 0 : i32
      %ge3A_161 = vector.broadcast %ge3A_160 : i32 to vector<16xi32>
      %ge3A_162 = arith.cmpi sge, %sub3A_159, %ge3A_161 : vector<16xi32>
      %lt3A_163 = arith.constant 200 : i32
      %lt3A_164 = vector.broadcast %lt3A_163 : i32 to vector<16xi32>
      %lt3A_165 = arith.cmpi slt, %sub3A_159, %lt3A_164 : vector<16xi32>
      %and3A_166 = arith.andi %ge3A_162, %lt3A_165 : vector<16xi1>
      %add3A_167 = arith.constant 80 : i32
      %add3A_168 = vector.broadcast %add3A_167 : i32 to vector<16xi32>
      %add3A_169 = arith.addi %iota3A, %add3A_168 : vector<16xi32>
      %get3A_170 = arith.index_cast %select_n3A : i32 to index
      %get3A_171 = arith.constant 96 : index
      %get3A_172 = tpu.vector_load %arg5[%get3A_170, %get3A_171] {strides = array<i32>} : memref<20x128xi32, #tpu.memory_space<vmem>>, vector<16xi32>,
      %mul3A_173 = arith.constant 200 : i32
      %mul3A_174 = arith.muli %select_n3A_69, %mul3A_173 : i32
      %sub3A_175 = vector.broadcast %mul3A_174 : i32 to vector<16xi32>
      %sub3A_176 = arith.subi %get3A_172, %sub3A_175 : vector<16xi32>
      %ge3A_177 = arith.constant 0 : i32
      %ge3A_178 = vector.broadcast %ge3A_177 : i32 to vector<16xi32>
      %ge3A_179 = arith.cmpi sge, %sub3A_176, %ge3A_178 : vector<16xi32>
      %lt3A_180 = arith.constant 200 : i32
      %lt3A_181 = vector.broadcast %lt3A_180 : i32 to vector<16xi32>
      %lt3A_182 = arith.cmpi slt, %sub3A_176, %lt3A_181 : vector<16xi32>
      %and3A_183 = arith.andi %ge3A_179, %lt3A_182 : vector<16xi1>
      %add3A_184 = arith.constant 96 : i32
      %add3A_185 = vector.broadcast %add3A_184 : i32 to vector<16xi32>
      %add3A_186 = arith.addi %iota3A, %add3A_185 : vector<16xi32>
      %get3A_187 = arith.index_cast %select_n3A : i32 to index
      %get3A_188 = arith.constant 112 : index
      %get3A_189 = tpu.vector_load %arg5[%get3A_187, %get3A_188] {strides = array<i32>} : memref<20x128xi32, #tpu.memory_space<vmem>>, vector<16xi32>,
      %mul3A_190 = arith.constant 200 : i32
      %mul3A_191 = arith.muli %select_n3A_69, %mul3A_190 : i32
      %sub3A_192 = vector.broadcast %mul3A_191 : i32 to vector<16xi32>
      %sub3A_193 = arith.subi %get3A_189, %sub3A_192 : vector<16xi32>
      %ge3A_194 = arith.constant 0 : i32
      %ge3A_195 = vector.broadcast %ge3A_194 : i32 to vector<16xi32>
      %ge3A_196 = arith.cmpi sge, %sub3A_193, %ge3A_195 : vector<16xi32>
      %lt3A_197 = arith.constant 200 : i32
      %lt3A_198 = vector.broadcast %lt3A_197 : i32 to vector<16xi32>
      %lt3A_199 = arith.cmpi slt, %sub3A_193, %lt3A_198 : vector<16xi32>
      %and3A_200 = arith.andi %ge3A_196, %lt3A_199 : vector<16xi1>
      %add3A_201 = arith.constant 112 : i32
      %add3A_202 = vector.broadcast %add3A_201 : i32 to vector<16xi32>
      %add3A_203 = arith.addi %iota3A, %add3A_202 : vector<16xi32>
      tpu.vector_store_idx %arg6[%broadcast_in_dim3A_9, %sub3A_75, %add3A_84], %broadcast_in_dim3A_11 masked %and3A_81 : memref<1x200x128xf32, #tpu.memory_space<vmem>>[vector<16xi32>, vector<16xi32>, vector<16xi32>], vector<16xf32>, vector<16xi1>
      tpu.vector_store_idx %arg6[%broadcast_in_dim3A_9, %sub3A_91, %add3A_101], %broadcast_in_dim3A_11 masked %and3A_98 : memref<1x200x128xf32, #tpu.memory_space<vmem>>[vector<16xi32>, vector<16xi32>, vector<16xi32>], vector<16xf32>, vector<16xi1>
      tpu.vector_store_idx %arg6[%broadcast_in_dim3A_9, %sub3A_108, %add3A_118], %broadcast_in_dim3A_11 masked %and3A_115 : memref<1x200x128xf32, #tpu.memory_space<vmem>>[vector<16xi32>, vector<16xi32>, vector<16xi32>], vector<16xf32>, vector<16xi1>
      tpu.vector_store_idx %arg6[%broadcast_in_dim3A_9, %sub3A_125, %add3A_135], %broadcast_in_dim3A_11 masked %and3A_132 : memref<1x200x128xf32, #tpu.memory_space<vmem>>[vector<16xi32>, vector<16xi32>, vector<16xi32>], vector<16xf32>, vector<16xi1>
      tpu.vector_store_idx %arg6[%broadcast_in_dim3A_9, %sub3A_142, %add3A_152], %broadcast_in_dim3A_11 masked %and3A_149 : memref<1x200x128xf32, #tpu.memory_space<vmem>>[vector<16xi32>, vector<16xi32>, vector<16xi32>], vector<16xf32>, vector<16xi1>
      tpu.vector_store_idx %arg6[%broadcast_in_dim3A_9, %sub3A_159, %add3A_169], %broadcast_in_dim3A_11 masked %and3A_166 : memref<1x200x128xf32, #tpu.memory_space<vmem>>[vector<16xi32>, vector<16xi32>, vector<16xi32>], vector<16xf32>, vector<16xi1>
      tpu.vector_store_idx %arg6[%broadcast_in_dim3A_9, %sub3A_176, %add3A_186], %broadcast_in_dim3A_11 masked %and3A_183 : memref<1x200x128xf32, #tpu.memory_space<vmem>>[vector<16xi32>, vector<16xi32>, vector<16xi32>], vector<16xf32>, vector<16xi1>
      tpu.vector_store_idx %arg6[%broadcast_in_dim3A_9, %sub3A_193, %add3A_203], %broadcast_in_dim3A_11 masked %and3A_200 : memref<1x200x128xf32, #tpu.memory_space<vmem>>[vector<16xi32>, vector<16xi32>, vector<16xi32>], vector<16xf32>, vector<16xi1>
      %jit3A_204 = arith.constant 5 : i32
      %div3A_205 = arith.divsi %add3A_37, %jit3A_204 : i32
      %sign3A_206 = arith.constant 0 : i32
      %sign3A_207 = arith.cmpi sgt, %add3A_37, %sign3A_206 : i32
      %sign3A_208 = arith.extui %sign3A_207 : i1 to i32
      %sign3A_209 = arith.constant 0 : i32
      %sign3A_210 = arith.cmpi slt, %add3A_37, %sign3A_209 : i32
      %sign3A_211 = arith.extui %sign3A_210 : i1 to i32
      %sign3A_212 = arith.subi %sign3A_208, %sign3A_211 : i32
      %sign3A_213 = arith.constant 0 : i32
      %sign3A_214 = arith.cmpi sgt, %jit3A_204, %sign3A_213 : i32
      %sign3A_215 = arith.extui %sign3A_214 : i1 to i32
      %sign3A_216 = arith.constant 0 : i32
      %sign3A_217 = arith.cmpi slt, %jit3A_204, %sign3A_216 : i32
      %sign3A_218 = arith.extui %sign3A_217 : i1 to i32
      %sign3A_219 = arith.subi %sign3A_215, %sign3A_218 : i32
      %ne3A_220 = arith.cmpi ne, %sign3A_212, %sign3A_219 : i32
      %rem3A_221 = arith.remsi %add3A_37, %jit3A_204 : i32
      %ne3A_222 = arith.constant 0 : i32
      %ne3A_223 = arith.cmpi ne, %rem3A_221, %ne3A_222 : i32
      %and3A_224 = arith.andi %ne3A_220, %ne3A_223 : i1
      %sub3A_225 = arith.constant 1 : i32
      %sub3A_226 = arith.subi %div3A_205, %sub3A_225 : i32
      %select_n3A_227 = arith.select %and3A_224, %sub3A_226, %div3A_205 : i32
      %jit3A_228 = arith.constant 5 : i32
      %eq3A_229 = arith.constant 0 : i32
      %eq3A_230 = arith.cmpi eq, %jit3A_228, %eq3A_229 : i32
      %jit3A_231 = arith.constant 1 : i32
      %select_n3A_232 = arith.select %eq3A_230, %jit3A_231, %jit3A_228 : i32
      %rem3A_233 = arith.remsi %add3A_37, %select_n3A_232 : i32
      %ne3A_234 = arith.constant 0 : i32
      %ne3A_235 = arith.cmpi ne, %rem3A_233, %ne3A_234 : i32
      %lt3A_236 = arith.constant 0 : i32
      %lt3A_237 = arith.cmpi slt, %rem3A_233, %lt3A_236 : i32
      %lt3A_238 = arith.constant 0 : i32
      %lt3A_239 = arith.cmpi slt, %select_n3A_232, %lt3A_238 : i32
      %ne3A_240 = arith.xori %lt3A_237, %lt3A_239 : i1
      %and3A_241 = arith.andi %ne3A_240, %ne3A_235 : i1
      %add3A_242 = arith.addi %rem3A_233, %select_n3A_232 : i32
      %select_n3A_243 = arith.select %and3A_241, %add3A_242, %rem3A_233 : i32
      %mul3A_244 = arith.constant 200 : i32
      %mul3A_245 = arith.muli %select_n3A_243, %mul3A_244 : i32
      %dma_start3A_246 = tpu.memref_slice %arg4[%select_n3A_227, %mul3A_245, %mul3A_2] : memref<20x1000x4096xf32, #tpu.memory_space<hbm>> -> memref<1x200x128xf32, #tpu.memory_space<hbm>>
      %dma_start3A_247 = tpu.memref_slice %arg4[%select_n3A_227, %mul3A_245, %mul3A_2] : memref<20x1000x4096xf32, #tpu.memory_space<hbm>> -> memref<1x200x128xf32, #tpu.memory_space<hbm>>
      tpu.enqueue_dma source(%arg6 : memref<1x200x128xf32, #tpu.memory_space<vmem>>) target(%dma_start3A_247 : memref<1x200x128xf32, #tpu.memory_space<hbm>>) target_semaphore(%arg8 : memref<!tpu.dma_semaphore, #tpu.memory_space<semaphore_mem>>)
      %mul3A_248 = arith.constant 2 : i32
      %mul3A_249 = arith.muli %scan3A_32, %mul3A_248 : i32
      %add3A_250 = arith.constant 1 : i32
      %add3A_251 = arith.addi %mul3A_249, %add3A_250 : i32
      %gt3A_252 = arith.constant 0 : i32
      %gt3A_253 = arith.cmpi sgt, %scan3A_32, %gt3A_252 : i32
      %convert_element_type3A_254 = arith.extui %gt3A_253 : i1 to i32
      %cond3A_255 = arith.constant 0 : i32
      %cond3A_256 = arith.cmpi ne, %convert_element_type3A_254, %cond3A_255 : i32
      scf.if %cond3A_256 {
        %sub3A_478 = arith.constant 2 : i32
        %sub3A_479 = arith.subi %add3A_251, %sub3A_478 : i32
        %jit3A_480 = arith.constant 5 : i32
        %div3A_481 = arith.divsi %sub3A_479, %jit3A_480 : i32
        %sign3A_482 = arith.constant 0 : i32
        %sign3A_483 = arith.cmpi sgt, %sub3A_479, %sign3A_482 : i32
        %sign3A_484 = arith.extui %sign3A_483 : i1 to i32
        %sign3A_485 = arith.constant 0 : i32
        %sign3A_486 = arith.cmpi slt, %sub3A_479, %sign3A_485 : i32
        %sign3A_487 = arith.extui %sign3A_486 : i1 to i32
        %sign3A_488 = arith.subi %sign3A_484, %sign3A_487 : i32
        %sign3A_489 = arith.constant 0 : i32
        %sign3A_490 = arith.cmpi sgt, %jit3A_480, %sign3A_489 : i32
        %sign3A_491 = arith.extui %sign3A_490 : i1 to i32
        %sign3A_492 = arith.constant 0 : i32
        %sign3A_493 = arith.cmpi slt, %jit3A_480, %sign3A_492 : i32
        %sign3A_494 = arith.extui %sign3A_493 : i1 to i32
        %sign3A_495 = arith.subi %sign3A_491, %sign3A_494 : i32
        %ne3A_496 = arith.cmpi ne, %sign3A_488, %sign3A_495 : i32
        %rem3A_497 = arith.remsi %sub3A_479, %jit3A_480 : i32
        %ne3A_498 = arith.constant 0 : i32
        %ne3A_499 = arith.cmpi ne, %rem3A_497, %ne3A_498 : i32
        %and3A_500 = arith.andi %ne3A_496, %ne3A_499 : i1
        %sub3A_501 = arith.constant 1 : i32
        %sub3A_502 = arith.subi %div3A_481, %sub3A_501 : i32
        %select_n3A_503 = arith.select %and3A_500, %sub3A_502, %div3A_481 : i32
        %jit3A_504 = arith.constant 5 : i32
        %eq3A_505 = arith.constant 0 : i32
        %eq3A_506 = arith.cmpi eq, %jit3A_504, %eq3A_505 : i32
        %jit3A_507 = arith.constant 1 : i32
        %select_n3A_508 = arith.select %eq3A_506, %jit3A_507, %jit3A_504 : i32
        %rem3A_509 = arith.remsi %sub3A_479, %select_n3A_508 : i32
        %ne3A_510 = arith.constant 0 : i32
        %ne3A_511 = arith.cmpi ne, %rem3A_509, %ne3A_510 : i32
        %lt3A_512 = arith.constant 0 : i32
        %lt3A_513 = arith.cmpi slt, %rem3A_509, %lt3A_512 : i32
        %lt3A_514 = arith.constant 0 : i32
        %lt3A_515 = arith.cmpi slt, %select_n3A_508, %lt3A_514 : i32
        %ne3A_516 = arith.xori %lt3A_513, %lt3A_515 : i1
        %and3A_517 = arith.andi %ne3A_516, %ne3A_511 : i1
        %add3A_518 = arith.addi %rem3A_509, %select_n3A_508 : i32
        %select_n3A_519 = arith.select %and3A_517, %add3A_518, %rem3A_509 : i32
        %mul3A_520 = arith.constant 200 : i32
        %mul3A_521 = arith.muli %select_n3A_519, %mul3A_520 : i32
        %dma_wait3A_522 = tpu.memref_slice %arg4[%select_n3A_503, %mul3A_521, %mul3A_2] : memref<20x1000x4096xf32, #tpu.memory_space<hbm>> -> memref<1x200x128xf32, #tpu.memory_space<hbm>>
        %dma_wait3A_523 = tpu.memref_slice %arg4[%select_n3A_503, %mul3A_521, %mul3A_2] : memref<20x1000x4096xf32, #tpu.memory_space<hbm>> -> memref<1x200x128xf32, #tpu.memory_space<hbm>>
        tpu.wait_dma2 semaphore(%arg9 : memref<!tpu.dma_semaphore, #tpu.memory_space<semaphore_mem>>) src(%arg7 : memref<1x200x128xf32, #tpu.memory_space<vmem>>) dst(%dma_wait3A_523 : memref<1x200x128xf32, #tpu.memory_space<hbm>>)
        %sub3A_524 = arith.constant 2 : i32
        %sub3A_525 = arith.subi %add3A_251, %sub3A_524 : i32
        %jit3A_526 = arith.constant 5 : i32
        %div3A_527 = arith.divsi %sub3A_525, %jit3A_526 : i32
        %sign3A_528 = arith.constant 0 : i32
        %sign3A_529 = arith.cmpi sgt, %sub3A_525, %sign3A_528 : i32
        %sign3A_530 = arith.extui %sign3A_529 : i1 to i32
        %sign3A_531 = arith.constant 0 : i32
        %sign3A_532 = arith.cmpi slt, %sub3A_525, %sign3A_531 : i32
        %sign3A_533 = arith.extui %sign3A_532 : i1 to i32
        %sign3A_534 = arith.subi %sign3A_530, %sign3A_533 : i32
        %sign3A_535 = arith.constant 0 : i32
        %sign3A_536 = arith.cmpi sgt, %jit3A_526, %sign3A_535 : i32
        %sign3A_537 = arith.extui %sign3A_536 : i1 to i32
        %sign3A_538 = arith.constant 0 : i32
        %sign3A_539 = arith.cmpi slt, %jit3A_526, %sign3A_538 : i32
        %sign3A_540 = arith.extui %sign3A_539 : i1 to i32
        %sign3A_541 = arith.subi %sign3A_537, %sign3A_540 : i32
        %ne3A_542 = arith.cmpi ne, %sign3A_534, %sign3A_541 : i32
        %rem3A_543 = arith.remsi %sub3A_525, %jit3A_526 : i32
        %ne3A_544 = arith.constant 0 : i32
        %ne3A_545 = arith.cmpi ne, %rem3A_543, %ne3A_544 : i32
        %and3A_546 = arith.andi %ne3A_542, %ne3A_545 : i1
        %sub3A_547 = arith.constant 1 : i32
        %sub3A_548 = arith.subi %div3A_527, %sub3A_547 : i32
        %select_n3A_549 = arith.select %and3A_546, %sub3A_548, %div3A_527 : i32
        %jit3A_550 = arith.constant 5 : i32
        %eq3A_551 = arith.constant 0 : i32
        %eq3A_552 = arith.cmpi eq, %jit3A_550, %eq3A_551 : i32
        %jit3A_553 = arith.constant 1 : i32
        %select_n3A_554 = arith.select %eq3A_552, %jit3A_553, %jit3A_550 : i32
        %rem3A_555 = arith.remsi %sub3A_525, %select_n3A_554 : i32
        %ne3A_556 = arith.constant 0 : i32
        %ne3A_557 = arith.cmpi ne, %rem3A_555, %ne3A_556 : i32
        %lt3A_558 = arith.constant 0 : i32
        %lt3A_559 = arith.cmpi slt, %rem3A_555, %lt3A_558 : i32
        %lt3A_560 = arith.constant 0 : i32
        %lt3A_561 = arith.cmpi slt, %select_n3A_554, %lt3A_560 : i32
        %ne3A_562 = arith.xori %lt3A_559, %lt3A_561 : i1
        %and3A_563 = arith.andi %ne3A_562, %ne3A_557 : i1
        %add3A_564 = arith.addi %rem3A_555, %select_n3A_554 : i32
        %select_n3A_565 = arith.select %and3A_563, %add3A_564, %rem3A_555 : i32
        %get3A_566 = arith.index_cast %select_n3A_549 : i32 to index
        %get3A_567 = arith.constant 0 : index
        %get3A_568 = tpu.vector_load %arg5[%get3A_566, %get3A_567] {strides = array<i32>} : memref<20x128xi32, #tpu.memory_space<vmem>>, vector<16xi32>,
        %mul3A_569 = arith.constant 200 : i32
        %mul3A_570 = arith.muli %select_n3A_565, %mul3A_569 : i32
        %sub3A_571 = vector.broadcast %mul3A_570 : i32 to vector<16xi32>
        %sub3A_572 = arith.subi %get3A_568, %sub3A_571 : vector<16xi32>
        %ge3A_573 = arith.constant 0 : i32
        %ge3A_574 = vector.broadcast %ge3A_573 : i32 to vector<16xi32>
        %ge3A_575 = arith.cmpi sge, %sub3A_572, %ge3A_574 : vector<16xi32>
        %lt3A_576 = arith.constant 200 : i32
        %lt3A_577 = vector.broadcast %lt3A_576 : i32 to vector<16xi32>
        %lt3A_578 = arith.cmpi slt, %sub3A_572, %lt3A_577 : vector<16xi32>
        %and3A_579 = arith.andi %ge3A_575, %lt3A_578 : vector<16xi1>
        %add3A_580 = arith.constant 0 : i32
        %add3A_581 = vector.broadcast %add3A_580 : i32 to vector<16xi32>
        %add3A_582 = arith.addi %iota3A, %add3A_581 : vector<16xi32>
        %get3A_583 = arith.index_cast %select_n3A_549 : i32 to index
        %get3A_584 = arith.constant 16 : index
        %get3A_585 = tpu.vector_load %arg5[%get3A_583, %get3A_584] {strides = array<i32>} : memref<20x128xi32, #tpu.memory_space<vmem>>, vector<16xi32>,
        %mul3A_586 = arith.constant 200 : i32
        %mul3A_587 = arith.muli %select_n3A_565, %mul3A_586 : i32
        %sub3A_588 = vector.broadcast %mul3A_587 : i32 to vector<16xi32>
        %sub3A_589 = arith.subi %get3A_585, %sub3A_588 : vector<16xi32>
        %ge3A_590 = arith.constant 0 : i32
        %ge3A_591 = vector.broadcast %ge3A_590 : i32 to vector<16xi32>
        %ge3A_592 = arith.cmpi sge, %sub3A_589, %ge3A_591 : vector<16xi32>
        %lt3A_593 = arith.constant 200 : i32
        %lt3A_594 = vector.broadcast %lt3A_593 : i32 to vector<16xi32>
        %lt3A_595 = arith.cmpi slt, %sub3A_589, %lt3A_594 : vector<16xi32>
        %and3A_596 = arith.andi %ge3A_592, %lt3A_595 : vector<16xi1>
        %add3A_597 = arith.constant 16 : i32
        %add3A_598 = vector.broadcast %add3A_597 : i32 to vector<16xi32>
        %add3A_599 = arith.addi %iota3A, %add3A_598 : vector<16xi32>
        %get3A_600 = arith.index_cast %select_n3A_549 : i32 to index
        %get3A_601 = arith.constant 32 : index
        %get3A_602 = tpu.vector_load %arg5[%get3A_600, %get3A_601] {strides = array<i32>} : memref<20x128xi32, #tpu.memory_space<vmem>>, vector<16xi32>,
        %mul3A_603 = arith.constant 200 : i32
        %mul3A_604 = arith.muli %select_n3A_565, %mul3A_603 : i32
        %sub3A_605 = vector.broadcast %mul3A_604 : i32 to vector<16xi32>
        %sub3A_606 = arith.subi %get3A_602, %sub3A_605 : vector<16xi32>
        %ge3A_607 = arith.constant 0 : i32
        %ge3A_608 = vector.broadcast %ge3A_607 : i32 to vector<16xi32>
        %ge3A_609 = arith.cmpi sge, %sub3A_606, %ge3A_608 : vector<16xi32>
        %lt3A_610 = arith.constant 200 : i32
        %lt3A_611 = vector.broadcast %lt3A_610 : i32 to vector<16xi32>
        %lt3A_612 = arith.cmpi slt, %sub3A_606, %lt3A_611 : vector<16xi32>
        %and3A_613 = arith.andi %ge3A_609, %lt3A_612 : vector<16xi1>
        %add3A_614 = arith.constant 32 : i32
        %add3A_615 = vector.broadcast %add3A_614 : i32 to vector<16xi32>
        %add3A_616 = arith.addi %iota3A, %add3A_615 : vector<16xi32>
        %get3A_617 = arith.index_cast %select_n3A_549 : i32 to index
        %get3A_618 = arith.constant 48 : index
        %get3A_619 = tpu.vector_load %arg5[%get3A_617, %get3A_618] {strides = array<i32>} : memref<20x128xi32, #tpu.memory_space<vmem>>, vector<16xi32>,
        %mul3A_620 = arith.constant 200 : i32
        %mul3A_621 = arith.muli %select_n3A_565, %mul3A_620 : i32
        %sub3A_622 = vector.broadcast %mul3A_621 : i32 to vector<16xi32>
        %sub3A_623 = arith.subi %get3A_619, %sub3A_622 : vector<16xi32>
        %ge3A_624 = arith.constant 0 : i32
        %ge3A_625 = vector.broadcast %ge3A_624 : i32 to vector<16xi32>
        %ge3A_626 = arith.cmpi sge, %sub3A_623, %ge3A_625 : vector<16xi32>
        %lt3A_627 = arith.constant 200 : i32
        %lt3A_628 = vector.broadcast %lt3A_627 : i32 to vector<16xi32>
        %lt3A_629 = arith.cmpi slt, %sub3A_623, %lt3A_628 : vector<16xi32>
        %and3A_630 = arith.andi %ge3A_626, %lt3A_629 : vector<16xi1>
        %add3A_631 = arith.constant 48 : i32
        %add3A_632 = vector.broadcast %add3A_631 : i32 to vector<16xi32>
        %add3A_633 = arith.addi %iota3A, %add3A_632 : vector<16xi32>
        %get3A_634 = arith.index_cast %select_n3A_549 : i32 to index
        %get3A_635 = arith.constant 64 : index
        %get3A_636 = tpu.vector_load %arg5[%get3A_634, %get3A_635] {strides = array<i32>} : memref<20x128xi32, #tpu.memory_space<vmem>>, vector<16xi32>,
        %mul3A_637 = arith.constant 200 : i32
        %mul3A_638 = arith.muli %select_n3A_565, %mul3A_637 : i32
        %sub3A_639 = vector.broadcast %mul3A_638 : i32 to vector<16xi32>
        %sub3A_640 = arith.subi %get3A_636, %sub3A_639 : vector<16xi32>
        %ge3A_641 = arith.constant 0 : i32
        %ge3A_642 = vector.broadcast %ge3A_641 : i32 to vector<16xi32>
        %ge3A_643 = arith.cmpi sge, %sub3A_640, %ge3A_642 : vector<16xi32>
        %lt3A_644 = arith.constant 200 : i32
        %lt3A_645 = vector.broadcast %lt3A_644 : i32 to vector<16xi32>
        %lt3A_646 = arith.cmpi slt, %sub3A_640, %lt3A_645 : vector<16xi32>
        %and3A_647 = arith.andi %ge3A_643, %lt3A_646 : vector<16xi1>
        %add3A_648 = arith.constant 64 : i32
        %add3A_649 = vector.broadcast %add3A_648 : i32 to vector<16xi32>
        %add3A_650 = arith.addi %iota3A, %add3A_649 : vector<16xi32>
        %get3A_651 = arith.index_cast %select_n3A_549 : i32 to index
        %get3A_652 = arith.constant 80 : index
        %get3A_653 = tpu.vector_load %arg5[%get3A_651, %get3A_652] {strides = array<i32>} : memref<20x128xi32, #tpu.memory_space<vmem>>, vector<16xi32>,
        %mul3A_654 = arith.constant 200 : i32
        %mul3A_655 = arith.muli %select_n3A_565, %mul3A_654 : i32
        %sub3A_656 = vector.broadcast %mul3A_655 : i32 to vector<16xi32>
        %sub3A_657 = arith.subi %get3A_653, %sub3A_656 : vector<16xi32>
        %ge3A_658 = arith.constant 0 : i32
        %ge3A_659 = vector.broadcast %ge3A_658 : i32 to vector<16xi32>
        %ge3A_660 = arith.cmpi sge, %sub3A_657, %ge3A_659 : vector<16xi32>
        %lt3A_661 = arith.constant 200 : i32
        %lt3A_662 = vector.broadcast %lt3A_661 : i32 to vector<16xi32>
        %lt3A_663 = arith.cmpi slt, %sub3A_657, %lt3A_662 : vector<16xi32>
        %and3A_664 = arith.andi %ge3A_660, %lt3A_663 : vector<16xi1>
        %add3A_665 = arith.constant 80 : i32
        %add3A_666 = vector.broadcast %add3A_665 : i32 to vector<16xi32>
        %add3A_667 = arith.addi %iota3A, %add3A_666 : vector<16xi32>
        %get3A_668 = arith.index_cast %select_n3A_549 : i32 to index
        %get3A_669 = arith.constant 96 : index
        %get3A_670 = tpu.vector_load %arg5[%get3A_668, %get3A_669] {strides = array<i32>} : memref<20x128xi32, #tpu.memory_space<vmem>>, vector<16xi32>,
        %mul3A_671 = arith.constant 200 : i32
        %mul3A_672 = arith.muli %select_n3A_565, %mul3A_671 : i32
        %sub3A_673 = vector.broadcast %mul3A_672 : i32 to vector<16xi32>
        %sub3A_674 = arith.subi %get3A_670, %sub3A_673 : vector<16xi32>
        %ge3A_675 = arith.constant 0 : i32
        %ge3A_676 = vector.broadcast %ge3A_675 : i32 to vector<16xi32>
        %ge3A_677 = arith.cmpi sge, %sub3A_674, %ge3A_676 : vector<16xi32>
        %lt3A_678 = arith.constant 200 : i32
        %lt3A_679 = vector.broadcast %lt3A_678 : i32 to vector<16xi32>
        %lt3A_680 = arith.cmpi slt, %sub3A_674, %lt3A_679 : vector<16xi32>
        %and3A_681 = arith.andi %ge3A_677, %lt3A_680 : vector<16xi1>
        %add3A_682 = arith.constant 96 : i32
        %add3A_683 = vector.broadcast %add3A_682 : i32 to vector<16xi32>
        %add3A_684 = arith.addi %iota3A, %add3A_683 : vector<16xi32>
        %get3A_685 = arith.index_cast %select_n3A_549 : i32 to index
        %get3A_686 = arith.constant 112 : index
        %get3A_687 = tpu.vector_load %arg5[%get3A_685, %get3A_686] {strides = array<i32>} : memref<20x128xi32, #tpu.memory_space<vmem>>, vector<16xi32>,
        %mul3A_688 = arith.constant 200 : i32
        %mul3A_689 = arith.muli %select_n3A_565, %mul3A_688 : i32
        %sub3A_690 = vector.broadcast %mul3A_689 : i32 to vector<16xi32>
        %sub3A_691 = arith.subi %get3A_687, %sub3A_690 : vector<16xi32>
        %ge3A_692 = arith.constant 0 : i32
        %ge3A_693 = vector.broadcast %ge3A_692 : i32 to vector<16xi32>
        %ge3A_694 = arith.cmpi sge, %sub3A_691, %ge3A_693 : vector<16xi32>
        %lt3A_695 = arith.constant 200 : i32
        %lt3A_696 = vector.broadcast %lt3A_695 : i32 to vector<16xi32>
        %lt3A_697 = arith.cmpi slt, %sub3A_691, %lt3A_696 : vector<16xi32>
        %and3A_698 = arith.andi %ge3A_694, %lt3A_697 : vector<16xi1>
        %add3A_699 = arith.constant 112 : i32
        %add3A_700 = vector.broadcast %add3A_699 : i32 to vector<16xi32>
        %add3A_701 = arith.addi %iota3A, %add3A_700 : vector<16xi32>
        tpu.vector_store_idx %arg7[%broadcast_in_dim3A_9, %sub3A_572, %add3A_582], %broadcast_in_dim3A_13 masked %and3A_579 : memref<1x200x128xf32, #tpu.memory_space<vmem>>[vector<16xi32>, vector<16xi32>, vector<16xi32>], vector<16xf32>, vector<16xi1>
        tpu.vector_store_idx %arg7[%broadcast_in_dim3A_9, %sub3A_589, %add3A_599], %broadcast_in_dim3A_13 masked %and3A_596 : memref<1x200x128xf32, #tpu.memory_space<vmem>>[vector<16xi32>, vector<16xi32>, vector<16xi32>], vector<16xf32>, vector<16xi1>
        tpu.vector_store_idx %arg7[%broadcast_in_dim3A_9, %sub3A_606, %add3A_616], %broadcast_in_dim3A_13 masked %and3A_613 : memref<1x200x128xf32, #tpu.memory_space<vmem>>[vector<16xi32>, vector<16xi32>, vector<16xi32>], vector<16xf32>, vector<16xi1>
        tpu.vector_store_idx %arg7[%broadcast_in_dim3A_9, %sub3A_623, %add3A_633], %broadcast_in_dim3A_13 masked %and3A_630 : memref<1x200x128xf32, #tpu.memory_space<vmem>>[vector<16xi32>, vector<16xi32>, vector<16xi32>], vector<16xf32>, vector<16xi1>
        tpu.vector_store_idx %arg7[%broadcast_in_dim3A_9, %sub3A_640, %add3A_650], %broadcast_in_dim3A_13 masked %and3A_647 : memref<1x200x128xf32, #tpu.memory_space<vmem>>[vector<16xi32>, vector<16xi32>, vector<16xi32>], vector<16xf32>, vector<16xi1>
        tpu.vector_store_idx %arg7[%broadcast_in_dim3A_9, %sub3A_657, %add3A_667], %broadcast_in_dim3A_13 masked %and3A_664 : memref<1x200x128xf32, #tpu.memory_space<vmem>>[vector<16xi32>, vector<16xi32>, vector<16xi32>], vector<16xf32>, vector<16xi1>
        tpu.vector_store_idx %arg7[%broadcast_in_dim3A_9, %sub3A_674, %add3A_684], %broadcast_in_dim3A_13 masked %and3A_681 : memref<1x200x128xf32, #tpu.memory_space<vmem>>[vector<16xi32>, vector<16xi32>, vector<16xi32>], vector<16xf32>, vector<16xi1>
        tpu.vector_store_idx %arg7[%broadcast_in_dim3A_9, %sub3A_691, %add3A_701], %broadcast_in_dim3A_13 masked %and3A_698 : memref<1x200x128xf32, #tpu.memory_space<vmem>>[vector<16xi32>, vector<16xi32>, vector<16xi32>], vector<16xf32>, vector<16xi1>
      } else {
      }
      %jit3A_257 = arith.constant 5 : i32
      %div3A_258 = arith.divsi %add3A_251, %jit3A_257 : i32
      %sign3A_259 = arith.constant 0 : i32
      %sign3A_260 = arith.cmpi sgt, %add3A_251, %sign3A_259 : i32
      %sign3A_261 = arith.extui %sign3A_260 : i1 to i32
      %sign3A_262 = arith.constant 0 : i32
      %sign3A_263 = arith.cmpi slt, %add3A_251, %sign3A_262 : i32
      %sign3A_264 = arith.extui %sign3A_263 : i1 to i32
      %sign3A_265 = arith.subi %sign3A_261, %sign3A_264 : i32
      %sign3A_266 = arith.constant 0 : i32
      %sign3A_267 = arith.cmpi sgt, %jit3A_257, %sign3A_266 : i32
      %sign3A_268 = arith.extui %sign3A_267 : i1 to i32
      %sign3A_269 = arith.constant 0 : i32
      %sign3A_270 = arith.cmpi slt, %jit3A_257, %sign3A_269 : i32
      %sign3A_271 = arith.extui %sign3A_270 : i1 to i32
      %sign3A_272 = arith.subi %sign3A_268, %sign3A_271 : i32
      %ne3A_273 = arith.cmpi ne, %sign3A_265, %sign3A_272 : i32
      %rem3A_274 = arith.remsi %add3A_251, %jit3A_257 : i32
      %ne3A_275 = arith.constant 0 : i32
      %ne3A_276 = arith.cmpi ne, %rem3A_274, %ne3A_275 : i32
      %and3A_277 = arith.andi %ne3A_273, %ne3A_276 : i1
      %sub3A_278 = arith.constant 1 : i32
      %sub3A_279 = arith.subi %div3A_258, %sub3A_278 : i32
      %select_n3A_280 = arith.select %and3A_277, %sub3A_279, %div3A_258 : i32
      %jit3A_281 = arith.constant 5 : i32
      %eq3A_282 = arith.constant 0 : i32
      %eq3A_283 = arith.cmpi eq, %jit3A_281, %eq3A_282 : i32
      %jit3A_284 = arith.constant 1 : i32
      %select_n3A_285 = arith.select %eq3A_283, %jit3A_284, %jit3A_281 : i32
      %rem3A_286 = arith.remsi %add3A_251, %select_n3A_285 : i32
      %ne3A_287 = arith.constant 0 : i32
      %ne3A_288 = arith.cmpi ne, %rem3A_286, %ne3A_287 : i32
      %lt3A_289 = arith.constant 0 : i32
      %lt3A_290 = arith.cmpi slt, %rem3A_286, %lt3A_289 : i32
      %lt3A_291 = arith.constant 0 : i32
      %lt3A_292 = arith.cmpi slt, %select_n3A_285, %lt3A_291 : i32
      %ne3A_293 = arith.xori %lt3A_290, %lt3A_292 : i1
      %and3A_294 = arith.andi %ne3A_293, %ne3A_288 : i1
      %add3A_295 = arith.addi %rem3A_286, %select_n3A_285 : i32
      %select_n3A_296 = arith.select %and3A_294, %add3A_295, %rem3A_286 : i32
      %get3A_297 = arith.index_cast %select_n3A_280 : i32 to index
      %get3A_298 = arith.constant 0 : index
      %get3A_299 = tpu.vector_load %arg5[%get3A_297, %get3A_298] {strides = array<i32>} : memref<20x128xi32, #tpu.memory_space<vmem>>, vector<16xi32>,
      %mul3A_300 = arith.constant 200 : i32
      %mul3A_301 = arith.muli %select_n3A_296, %mul3A_300 : i32
      %sub3A_302 = vector.broadcast %mul3A_301 : i32 to vector<16xi32>
      %sub3A_303 = arith.subi %get3A_299, %sub3A_302 : vector<16xi32>
      %ge3A_304 = arith.constant 0 : i32
      %ge3A_305 = vector.broadcast %ge3A_304 : i32 to vector<16xi32>
      %ge3A_306 = arith.cmpi sge, %sub3A_303, %ge3A_305 : vector<16xi32>
      %lt3A_307 = arith.constant 200 : i32
      %lt3A_308 = vector.broadcast %lt3A_307 : i32 to vector<16xi32>
      %lt3A_309 = arith.cmpi slt, %sub3A_303, %lt3A_308 : vector<16xi32>
      %and3A_310 = arith.andi %ge3A_306, %lt3A_309 : vector<16xi1>
      %add3A_311 = arith.constant 0 : i32
      %add3A_312 = vector.broadcast %add3A_311 : i32 to vector<16xi32>
      %add3A_313 = arith.addi %iota3A, %add3A_312 : vector<16xi32>
      %get3A_314 = arith.index_cast %select_n3A_280 : i32 to index
      %get3A_315 = arith.constant 16 : index
      %get3A_316 = tpu.vector_load %arg5[%get3A_314, %get3A_315] {strides = array<i32>} : memref<20x128xi32, #tpu.memory_space<vmem>>, vector<16xi32>,
      %mul3A_317 = arith.constant 200 : i32
      %mul3A_318 = arith.muli %select_n3A_296, %mul3A_317 : i32
      %sub3A_319 = vector.broadcast %mul3A_318 : i32 to vector<16xi32>
      %sub3A_320 = arith.subi %get3A_316, %sub3A_319 : vector<16xi32>
      %ge3A_321 = arith.constant 0 : i32
      %ge3A_322 = vector.broadcast %ge3A_321 : i32 to vector<16xi32>
      %ge3A_323 = arith.cmpi sge, %sub3A_320, %ge3A_322 : vector<16xi32>
      %lt3A_324 = arith.constant 200 : i32
      %lt3A_325 = vector.broadcast %lt3A_324 : i32 to vector<16xi32>
      %lt3A_326 = arith.cmpi slt, %sub3A_320, %lt3A_325 : vector<16xi32>
      %and3A_327 = arith.andi %ge3A_323, %lt3A_326 : vector<16xi1>
      %add3A_328 = arith.constant 16 : i32
      %add3A_329 = vector.broadcast %add3A_328 : i32 to vector<16xi32>
      %add3A_330 = arith.addi %iota3A, %add3A_329 : vector<16xi32>
      %get3A_331 = arith.index_cast %select_n3A_280 : i32 to index
      %get3A_332 = arith.constant 32 : index
      %get3A_333 = tpu.vector_load %arg5[%get3A_331, %get3A_332] {strides = array<i32>} : memref<20x128xi32, #tpu.memory_space<vmem>>, vector<16xi32>,
      %mul3A_334 = arith.constant 200 : i32
      %mul3A_335 = arith.muli %select_n3A_296, %mul3A_334 : i32
      %sub3A_336 = vector.broadcast %mul3A_335 : i32 to vector<16xi32>
      %sub3A_337 = arith.subi %get3A_333, %sub3A_336 : vector<16xi32>
      %ge3A_338 = arith.constant 0 : i32
      %ge3A_339 = vector.broadcast %ge3A_338 : i32 to vector<16xi32>
      %ge3A_340 = arith.cmpi sge, %sub3A_337, %ge3A_339 : vector<16xi32>
      %lt3A_341 = arith.constant 200 : i32
      %lt3A_342 = vector.broadcast %lt3A_341 : i32 to vector<16xi32>
      %lt3A_343 = arith.cmpi slt, %sub3A_337, %lt3A_342 : vector<16xi32>
      %and3A_344 = arith.andi %ge3A_340, %lt3A_343 : vector<16xi1>
      %add3A_345 = arith.constant 32 : i32
      %add3A_346 = vector.broadcast %add3A_345 : i32 to vector<16xi32>
      %add3A_347 = arith.addi %iota3A, %add3A_346 : vector<16xi32>
      %get3A_348 = arith.index_cast %select_n3A_280 : i32 to index
      %get3A_349 = arith.constant 48 : index
      %get3A_350 = tpu.vector_load %arg5[%get3A_348, %get3A_349] {strides = array<i32>} : memref<20x128xi32, #tpu.memory_space<vmem>>, vector<16xi32>,
      %mul3A_351 = arith.constant 200 : i32
      %mul3A_352 = arith.muli %select_n3A_296, %mul3A_351 : i32
      %sub3A_353 = vector.broadcast %mul3A_352 : i32 to vector<16xi32>
      %sub3A_354 = arith.subi %get3A_350, %sub3A_353 : vector<16xi32>
      %ge3A_355 = arith.constant 0 : i32
      %ge3A_356 = vector.broadcast %ge3A_355 : i32 to vector<16xi32>
      %ge3A_357 = arith.cmpi sge, %sub3A_354, %ge3A_356 : vector<16xi32>
      %lt3A_358 = arith.constant 200 : i32
      %lt3A_359 = vector.broadcast %lt3A_358 : i32 to vector<16xi32>
      %lt3A_360 = arith.cmpi slt, %sub3A_354, %lt3A_359 : vector<16xi32>
      %and3A_361 = arith.andi %ge3A_357, %lt3A_360 : vector<16xi1>
      %add3A_362 = arith.constant 48 : i32
      %add3A_363 = vector.broadcast %add3A_362 : i32 to vector<16xi32>
      %add3A_364 = arith.addi %iota3A, %add3A_363 : vector<16xi32>
      %get3A_365 = arith.index_cast %select_n3A_280 : i32 to index
      %get3A_366 = arith.constant 64 : index
      %get3A_367 = tpu.vector_load %arg5[%get3A_365, %get3A_366] {strides = array<i32>} : memref<20x128xi32, #tpu.memory_space<vmem>>, vector<16xi32>,
      %mul3A_368 = arith.constant 200 : i32
      %mul3A_369 = arith.muli %select_n3A_296, %mul3A_368 : i32
      %sub3A_370 = vector.broadcast %mul3A_369 : i32 to vector<16xi32>
      %sub3A_371 = arith.subi %get3A_367, %sub3A_370 : vector<16xi32>
      %ge3A_372 = arith.constant 0 : i32
      %ge3A_373 = vector.broadcast %ge3A_372 : i32 to vector<16xi32>
      %ge3A_374 = arith.cmpi sge, %sub3A_371, %ge3A_373 : vector<16xi32>
      %lt3A_375 = arith.constant 200 : i32
      %lt3A_376 = vector.broadcast %lt3A_375 : i32 to vector<16xi32>
      %lt3A_377 = arith.cmpi slt, %sub3A_371, %lt3A_376 : vector<16xi32>
      %and3A_378 = arith.andi %ge3A_374, %lt3A_377 : vector<16xi1>
      %add3A_379 = arith.constant 64 : i32
      %add3A_380 = vector.broadcast %add3A_379 : i32 to vector<16xi32>
      %add3A_381 = arith.addi %iota3A, %add3A_380 : vector<16xi32>
      %get3A_382 = arith.index_cast %select_n3A_280 : i32 to index
      %get3A_383 = arith.constant 80 : index
      %get3A_384 = tpu.vector_load %arg5[%get3A_382, %get3A_383] {strides = array<i32>} : memref<20x128xi32, #tpu.memory_space<vmem>>, vector<16xi32>,
      %mul3A_385 = arith.constant 200 : i32
      %mul3A_386 = arith.muli %select_n3A_296, %mul3A_385 : i32
      %sub3A_387 = vector.broadcast %mul3A_386 : i32 to vector<16xi32>
      %sub3A_388 = arith.subi %get3A_384, %sub3A_387 : vector<16xi32>
      %ge3A_389 = arith.constant 0 : i32
      %ge3A_390 = vector.broadcast %ge3A_389 : i32 to vector<16xi32>
      %ge3A_391 = arith.cmpi sge, %sub3A_388, %ge3A_390 : vector<16xi32>
      %lt3A_392 = arith.constant 200 : i32
      %lt3A_393 = vector.broadcast %lt3A_392 : i32 to vector<16xi32>
      %lt3A_394 = arith.cmpi slt, %sub3A_388, %lt3A_393 : vector<16xi32>
      %and3A_395 = arith.andi %ge3A_391, %lt3A_394 : vector<16xi1>
      %add3A_396 = arith.constant 80 : i32
      %add3A_397 = vector.broadcast %add3A_396 : i32 to vector<16xi32>
      %add3A_398 = arith.addi %iota3A, %add3A_397 : vector<16xi32>
      %get3A_399 = arith.index_cast %select_n3A_280 : i32 to index
      %get3A_400 = arith.constant 96 : index
      %get3A_401 = tpu.vector_load %arg5[%get3A_399, %get3A_400] {strides = array<i32>} : memref<20x128xi32, #tpu.memory_space<vmem>>, vector<16xi32>,
      %mul3A_402 = arith.constant 200 : i32
      %mul3A_403 = arith.muli %select_n3A_296, %mul3A_402 : i32
      %sub3A_404 = vector.broadcast %mul3A_403 : i32 to vector<16xi32>
      %sub3A_405 = arith.subi %get3A_401, %sub3A_404 : vector<16xi32>
      %ge3A_406 = arith.constant 0 : i32
      %ge3A_407 = vector.broadcast %ge3A_406 : i32 to vector<16xi32>
      %ge3A_408 = arith.cmpi sge, %sub3A_405, %ge3A_407 : vector<16xi32>
      %lt3A_409 = arith.constant 200 : i32
      %lt3A_410 = vector.broadcast %lt3A_409 : i32 to vector<16xi32>
      %lt3A_411 = arith.cmpi slt, %sub3A_405, %lt3A_410 : vector<16xi32>
      %and3A_412 = arith.andi %ge3A_408, %lt3A_411 : vector<16xi1>
      %add3A_413 = arith.constant 96 : i32
      %add3A_414 = vector.broadcast %add3A_413 : i32 to vector<16xi32>
      %add3A_415 = arith.addi %iota3A, %add3A_414 : vector<16xi32>
      %get3A_416 = arith.index_cast %select_n3A_280 : i32 to index
      %get3A_417 = arith.constant 112 : index
      %get3A_418 = tpu.vector_load %arg5[%get3A_416, %get3A_417] {strides = array<i32>} : memref<20x128xi32, #tpu.memory_space<vmem>>, vector<16xi32>,
      %mul3A_419 = arith.constant 200 : i32
      %mul3A_420 = arith.muli %select_n3A_296, %mul3A_419 : i32
      %sub3A_421 = vector.broadcast %mul3A_420 : i32 to vector<16xi32>
      %sub3A_422 = arith.subi %get3A_418, %sub3A_421 : vector<16xi32>
      %ge3A_423 = arith.constant 0 : i32
      %ge3A_424 = vector.broadcast %ge3A_423 : i32 to vector<16xi32>
      %ge3A_425 = arith.cmpi sge, %sub3A_422, %ge3A_424 : vector<16xi32>
      %lt3A_426 = arith.constant 200 : i32
      %lt3A_427 = vector.broadcast %lt3A_426 : i32 to vector<16xi32>
      %lt3A_428 = arith.cmpi slt, %sub3A_422, %lt3A_427 : vector<16xi32>
      %and3A_429 = arith.andi %ge3A_425, %lt3A_428 : vector<16xi1>
      %add3A_430 = arith.constant 112 : i32
      %add3A_431 = vector.broadcast %add3A_430 : i32 to vector<16xi32>
      %add3A_432 = arith.addi %iota3A, %add3A_431 : vector<16xi32>
      tpu.vector_store_idx %arg7[%broadcast_in_dim3A_9, %sub3A_303, %add3A_313], %broadcast_in_dim3A_11 masked %and3A_310 : memref<1x200x128xf32, #tpu.memory_space<vmem>>[vector<16xi32>, vector<16xi32>, vector<16xi32>], vector<16xf32>, vector<16xi1>
      tpu.vector_store_idx %arg7[%broadcast_in_dim3A_9, %sub3A_320, %add3A_330], %broadcast_in_dim3A_11 masked %and3A_327 : memref<1x200x128xf32, #tpu.memory_space<vmem>>[vector<16xi32>, vector<16xi32>, vector<16xi32>], vector<16xf32>, vector<16xi1>
      tpu.vector_store_idx %arg7[%broadcast_in_dim3A_9, %sub3A_337, %add3A_347], %broadcast_in_dim3A_11 masked %and3A_344 : memref<1x200x128xf32, #tpu.memory_space<vmem>>[vector<16xi32>, vector<16xi32>, vector<16xi32>], vector<16xf32>, vector<16xi1>
      tpu.vector_store_idx %arg7[%broadcast_in_dim3A_9, %sub3A_354, %add3A_364], %broadcast_in_dim3A_11 masked %and3A_361 : memref<1x200x128xf32, #tpu.memory_space<vmem>>[vector<16xi32>, vector<16xi32>, vector<16xi32>], vector<16xf32>, vector<16xi1>
      tpu.vector_store_idx %arg7[%broadcast_in_dim3A_9, %sub3A_371, %add3A_381], %broadcast_in_dim3A_11 masked %and3A_378 : memref<1x200x128xf32, #tpu.memory_space<vmem>>[vector<16xi32>, vector<16xi32>, vector<16xi32>], vector<16xf32>, vector<16xi1>
      tpu.vector_store_idx %arg7[%broadcast_in_dim3A_9, %sub3A_388, %add3A_398], %broadcast_in_dim3A_11 masked %and3A_395 : memref<1x200x128xf32, #tpu.memory_space<vmem>>[vector<16xi32>, vector<16xi32>, vector<16xi32>], vector<16xf32>, vector<16xi1>
      tpu.vector_store_idx %arg7[%broadcast_in_dim3A_9, %sub3A_405, %add3A_415], %broadcast_in_dim3A_11 masked %and3A_412 : memref<1x200x128xf32, #tpu.memory_space<vmem>>[vector<16xi32>, vector<16xi32>, vector<16xi32>], vector<16xf32>, vector<16xi1>
      tpu.vector_store_idx %arg7[%broadcast_in_dim3A_9, %sub3A_422, %add3A_432], %broadcast_in_dim3A_11 masked %and3A_429 : memref<1x200x128xf32, #tpu.memory_space<vmem>>[vector<16xi32>, vector<16xi32>, vector<16xi32>], vector<16xf32>, vector<16xi1>
      %jit3A_433 = arith.constant 5 : i32
      %div3A_434 = arith.divsi %add3A_251, %jit3A_433 : i32
      %sign3A_435 = arith.constant 0 : i32
      %sign3A_436 = arith.cmpi sgt, %add3A_251, %sign3A_435 : i32
      %sign3A_437 = arith.extui %sign3A_436 : i1 to i32
      %sign3A_438 = arith.constant 0 : i32
      %sign3A_439 = arith.cmpi slt, %add3A_251, %sign3A_438 : i32
      %sign3A_440 = arith.extui %sign3A_439 : i1 to i32
      %sign3A_441 = arith.subi %sign3A_437, %sign3A_440 : i32
      %sign3A_442 = arith.constant 0 : i32
      %sign3A_443 = arith.cmpi sgt, %jit3A_433, %sign3A_442 : i32
      %sign3A_444 = arith.extui %sign3A_443 : i1 to i32
      %sign3A_445 = arith.constant 0 : i32
      %sign3A_446 = arith.cmpi slt, %jit3A_433, %sign3A_445 : i32
      %sign3A_447 = arith.extui %sign3A_446 : i1 to i32
      %sign3A_448 = arith.subi %sign3A_444, %sign3A_447 : i32
      %ne3A_449 = arith.cmpi ne, %sign3A_441, %sign3A_448 : i32
      %rem3A_450 = arith.remsi %add3A_251, %jit3A_433 : i32
      %ne3A_451 = arith.constant 0 : i32
      %ne3A_452 = arith.cmpi ne, %rem3A_450, %ne3A_451 : i32
      %and3A_453 = arith.andi %ne3A_449, %ne3A_452 : i1
      %sub3A_454 = arith.constant 1 : i32
      %sub3A_455 = arith.subi %div3A_434, %sub3A_454 : i32
      %select_n3A_456 = arith.select %and3A_453, %sub3A_455, %div3A_434 : i32
      %jit3A_457 = arith.constant 5 : i32
      %eq3A_458 = arith.constant 0 : i32
      %eq3A_459 = arith.cmpi eq, %jit3A_457, %eq3A_458 : i32
      %jit3A_460 = arith.constant 1 : i32
      %select_n3A_461 = arith.select %eq3A_459, %jit3A_460, %jit3A_457 : i32
      %rem3A_462 = arith.remsi %add3A_251, %select_n3A_461 : i32
      %ne3A_463 = arith.constant 0 : i32
      %ne3A_464 = arith.cmpi ne, %rem3A_462, %ne3A_463 : i32
      %lt3A_465 = arith.constant 0 : i32
      %lt3A_466 = arith.cmpi slt, %rem3A_462, %lt3A_465 : i32
      %lt3A_467 = arith.constant 0 : i32
      %lt3A_468 = arith.cmpi slt, %select_n3A_461, %lt3A_467 : i32
      %ne3A_469 = arith.xori %lt3A_466, %lt3A_468 : i1
      %and3A_470 = arith.andi %ne3A_469, %ne3A_464 : i1
      %add3A_471 = arith.addi %rem3A_462, %select_n3A_461 : i32
      %select_n3A_472 = arith.select %and3A_470, %add3A_471, %rem3A_462 : i32
      %mul3A_473 = arith.constant 200 : i32
      %mul3A_474 = arith.muli %select_n3A_472, %mul3A_473 : i32
      %dma_start3A_475 = tpu.memref_slice %arg4[%select_n3A_456, %mul3A_474, %mul3A_2] : memref<20x1000x4096xf32, #tpu.memory_space<hbm>> -> memref<1x200x128xf32, #tpu.memory_space<hbm>>
      %dma_start3A_476 = tpu.memref_slice %arg4[%select_n3A_456, %mul3A_474, %mul3A_2] : memref<20x1000x4096xf32, #tpu.memory_space<hbm>> -> memref<1x200x128xf32, #tpu.memory_space<hbm>>
      tpu.enqueue_dma source(%arg7 : memref<1x200x128xf32, #tpu.memory_space<vmem>>) target(%dma_start3A_476 : memref<1x200x128xf32, #tpu.memory_space<hbm>>) target_semaphore(%arg9 : memref<!tpu.dma_semaphore, #tpu.memory_space<semaphore_mem>>)
      %scan3A_477 = arith.constant 0 : i32
      scf.yield %scan3A_477 : i32
    }
    %scan3A_19 = arith.constant 50 : i32
    %dma_wait3A_20 = arith.constant 19 : i32
    %dma_wait3A_21 = arith.constant 600 : i32
    %dma_wait3A_22 = tpu.memref_slice %arg4[%dma_wait3A_20, %dma_wait3A_21, %mul3A_2] : memref<20x1000x4096xf32, #tpu.memory_space<hbm>> -> memref<1x200x128xf32, #tpu.memory_space<hbm>>
    %dma_wait3A_23 = arith.constant 19 : i32
    %dma_wait3A_24 = arith.constant 600 : i32
    %dma_wait3A_25 = tpu.memref_slice %arg4[%dma_wait3A_23, %dma_wait3A_24, %mul3A_2] : memref<20x1000x4096xf32, #tpu.memory_space<hbm>> -> memref<1x200x128xf32, #tpu.memory_space<hbm>>
    tpu.wait_dma2 semaphore(%arg8 : memref<!tpu.dma_semaphore, #tpu.memory_space<semaphore_mem>>) src(%arg6 : memref<1x200x128xf32, #tpu.memory_space<vmem>>) dst(%dma_wait3A_25 : memref<1x200x128xf32, #tpu.memory_space<hbm>>)
    %dma_wait3A_26 = arith.constant 19 : i32
    %dma_wait3A_27 = arith.constant 800 : i32
    %dma_wait3A_28 = tpu.memref_slice %arg4[%dma_wait3A_26, %dma_wait3A_27, %mul3A_2] : memref<20x1000x4096xf32, #tpu.memory_space<hbm>> -> memref<1x200x128xf32, #tpu.memory_space<hbm>>
    %dma_wait3A_29 = arith.constant 19 : i32
    %dma_wait3A_30 = arith.constant 800 : i32
    %dma_wait3A_31 = tpu.memref_slice %arg4[%dma_wait3A_29, %dma_wait3A_30, %mul3A_2] : memref<20x1000x4096xf32, #tpu.memory_space<hbm>> -> memref<1x200x128xf32, #tpu.memory_space<hbm>>
    tpu.wait_dma2 semaphore(%arg9 : memref<!tpu.dma_semaphore, #tpu.memory_space<semaphore_mem>>) src(%arg7 : memref<1x200x128xf32, #tpu.memory_space<vmem>>) dst(%dma_wait3A_31 : memref<1x200x128xf32, #tpu.memory_space<hbm>>)
    return
  }
}

</mosaic_0001>

<sc_bundles>
// kernel: kernel.3.cloned.1.call-start
scs
__scs_entry_jumppad:
0x0: {  	(pc) =	sbr.rel $0x88, $3  }
0x1: {  	(tag) =	ssettag $0x0;
	lr =	simm.s32 $0x1  }
0x2: {  	[smem:$0x3FA0] =	sst lr;
	_ =	strace $0xD0000000  }
0x3: {  	_ = 	snop  }
0x4: {  	_ = 	snop  }
0x5: {  	_ = 	snop  }
0x6: {  	_ = 	snop  }
0x7: {  	_ = 	snop  }
__scs_overlays_trampoline_lowered:
0x8: {  	[smem:$0x3FAF] =	sst s0  }
0x9: {  	[smem:$0x3FB0] =	sst s1  }
0xa: {  	[smem:$0x3FB1] =	sst s2  }
0xb: {  	[smem:$0x3FB2] =	sst s3  }
0xc: {  	[smem:$0x3FB3] =	sst s4  }
0xd: {  	[smem:$0x3FB4] =	sst s5  }
0xe: {  	[smem:$0x3FB5] =	sst s6  }
0xf: {  	[smem:$0x3FB6] =	sst s7  }
0x10: {  	[smem:$0x3FB7] =	sst s8  }
0x11: {  	[smem:$0x3FB8] =	sst s9;
	s0 =	simm.s32 @!p0 $0x0  }
0x12: {  	s1 =	sld [smem:$0x3F9E];
	s0 =	simm.s32 @p0 $0x1  }
0x13: {  	[smem:$0x3FB9] =	sst s0;
	s0 =	simm.s32 @!p1 $0x0  }
0x14: {  	s2 =	sld [smem:$0x3F9D];
	s0 =	simm.s32 @p1 $0x1  }
0x15: {  	[smem:$0x3FBA] =	sst s0;
	s0 =	simm.s32 @!p2 $0x0  }
0x16: {  	s3 =	sld [smem:$0x3FDB];
	s0 =	simm.s32 @p2 $0x1  }
0x17: {  	s4 =	simm.s32 $0x1BF5;
	[smem:$0x3FBC] =	sst s0  }
0x18: {  	s0 =	sld [smem:$0x3F9F];
	_ =	swait.ge [sflag:s4], $0x0  }
0x19: {  	s7 =	sld [smem:$0x3FA0]  }
0x1a: {  	s8 =	sadd.s32 $0xFFFFE003, lr  }
0x1b: {  	s9 =	sadd.s32 $0xFFFFFEF7, lr;
	s5 =	simm.s32 $0xFFFFFFFF;
	p2 =	slt.u32 s8, $0xFFFFF086  }
0x1c: {  	p1 =	slt.u32 s9, $0xF7A;
	s5 =	simm.s32 @!p2 $0x0  }
0x1d: {  	s5 =	simm.s32 @p1 $0x1;
	p0 =	seq.s32 s7, s2  }
0x1e: {  	s7 =	smul.u32 @!p0 $0xF7A, s2;
	p2 =	seq.s32 @!p0 s5, $0x0  }
0x1f: {  	s9 =	smul.u32 $0xF7A, s1;
	s8 =	simm.s32 @!p0 $0x1BF5;
	p2 =	por !p2, p0  }
0x20: {  	[sflag:s8] =	ssyncset.s32 @!p0 $0xFFFFF086;
	s6 =	sadd.s32 @!p0 s3, s7;
	s7 =	simm.s32 @!p0 $0x108  }
0x21: {  	s3 =	sadd.s32 s3, s9;
	s6 =	sadd.s32 @!p0 $0x88, s6;
	s7 =	simm.s32 @p2 $0x1082  }
0x22: {  	[simem:s7], [sflag:s8] =	dma.local @!p0 [hbm:s6], $0xF7A  }
0x23: {  	s9 =	sor.u32 $0xD0000000, s2;
	s6 =	simm.s32 $0x108;
	_ =	swait.ge @!p0 [sflag:s8], $0x0  }
0x24: {  	s3 =	sadd.s32 $0x88, s3;
	s6 =	simm.s32 @!p1 $0x1082;
	[sflag:s4] =	ssyncset.s32 $0xFFFFF086  }
0x25: {  	[simem:s6], [sflag:s4] =	dma.local [hbm:s3], $0xF7A  }
0x26: {  	[smem:$0x3FA0] =	sst s1;
	(tag) =	ssettag s2;
	_ =	strace s9  }
0x27: {  	s1 =	sld [smem:$0x3FB0]  }
0x28: {  	s2 =	sld [smem:$0x3FB1]  }
0x29: {  	s4 =	sld [smem:$0x3FB3]  }
0x2a: {  	p0 =	seq.s32 s5, $0x0;
	s5 =	sld [smem:$0x3FB4]  }
0x2b: {  	s6 =	sld [smem:$0x3FB5]  }
0x2c: {  	s7 =	sld [smem:$0x3FB6]  }
0x2d: {  	s3 =	simm.s32 $0x108;
	s8 =	sld [smem:$0x3FB7]  }
0x2e: {  	s3 =	simm.s32 @!p0 $0x1082;
	s9 =	sld [smem:$0x3FB8]  }
0x2f: {  	lr =	sadd.s32 s0, s3;
	s0 =	sld [smem:$0x3FAF]  }
0x30: {  	s3 =	sld [smem:$0x3FB2]  }
0x31: {  	[smem:$0x3FBB] =	sst s10  }
0x32: {  	s10 =	sld [smem:$0x3FB9];
	_ =	sdelay $0x3  }
0x33: {  	p0 =	seq.s32 s10, $0x1;
	s10 =	sld [smem:$0x3FBB];
	_ =	sdelay $0x3  }
0x34: {  	[smem:$0x3FBB] =	sst s10  }
0x35: {  	s10 =	sld [smem:$0x3FBA];
	_ =	sdelay $0x3  }
0x36: {  	p1 =	seq.s32 s10, $0x1;
	s10 =	sld [smem:$0x3FBB];
	_ =	sdelay $0x3  }
0x37: {  	[smem:$0x3FBB] =	sst s10  }
0x38: {  	s10 =	sld [smem:$0x3FBC]  }
0x39: {  	_ = 	snop;
	(pc) =	sbr.ind lr, $3  }
0x3a: {  	_ = 	snop  }
0x3b: {  	_ = 	snop  }
0x3c: {  	p2 =	seq.s32 s10, $0x1;
	s10 =	sld [smem:$0x3FBB]  }
0x3d: {  	_ =	shalt  }
0x3e: {  	_ =	shalt  }
0x3f: {  	_ =	shalt  }
0x40: {  	_ =	shalt  }
0x41: {  	_ =	shalt  }
0x42: {  	_ =	shalt  }
0x43: {  	_ =	shalt  }
0x44: {  	_ =	shalt  }
0x45: {  	_ =	shalt  }
0x46: {  	_ =	shalt  }
0x47: {  	_ =	shalt  }
0x48: {  	_ =	shalt  }
0x49: {  	_ =	shalt  }
0x4a: {  	_ =	shalt  }
0x4b: {  	_ =	shalt  }
0x4c: {  	_ =	shalt  }
0x4d: {  	_ =	shalt  }
0x4e: {  	_ =	shalt  }
0x4f: {  	_ =	shalt  }
0x50: {  	_ =	shalt  }
0x51: {  	_ =	shalt  }
0x52: {  	_ =	shalt  }
0x53: {  	_ =	shalt  }
0x54: {  	_ =	shalt  }
0x55: {  	_ =	shalt  }
0x56: {  	_ =	shalt  }
0x57: {  	_ =	shalt  }
0x58: {  	_ =	shalt  }
0x59: {  	_ =	shalt  }
0x5a: {  	_ =	shalt  }
0x5b: {  	_ =	shalt  }
0x5c: {  	_ =	shalt  }
0x5d: {  	_ =	shalt  }
0x5e: {  	_ =	shalt  }
0x5f: {  	_ =	shalt  }
0x60: {  	_ =	shalt  }
0x61: {  	_ =	shalt  }
0x62: {  	_ =	shalt  }
0x63: {  	_ =	shalt  }
0x64: {  	_ =	shalt  }
0x65: {  	_ =	shalt  }
0x66: {  	_ =	shalt  }
0x67: {  	_ =	shalt  }
0x68: {  	_ =	shalt  }
0x69: {  	_ =	shalt  }
0x6a: {  	_ =	shalt  }
0x6b: {  	_ =	shalt  }
0x6c: {  	_ =	shalt  }
0x6d: {  	_ =	shalt  }
0x6e: {  	_ =	shalt  }
0x6f: {  	_ =	shalt  }
0x70: {  	_ =	shalt  }
0x71: {  	_ =	shalt  }
0x72: {  	_ =	shalt  }
0x73: {  	_ =	shalt  }
0x74: {  	_ =	shalt  }
0x75: {  	_ =	shalt  }
0x76: {  	_ =	shalt  }
0x77: {  	_ =	shalt  }
0x78: {  	_ =	shalt  }
0x79: {  	_ =	shalt  }
0x7a: {  	_ =	shalt  }
0x7b: {  	_ =	shalt  }
0x7c: {  	_ =	shalt  }
0x7d: {  	_ =	shalt  }
0x7e: {  	_ =	shalt  }
0x7f: {  	_ =	shalt  }
0x80: {  	_ =	shalt  }
0x81: {  	_ =	shalt  }
0x82: {  	_ =	shalt  }
0x83: {  	_ =	shalt  }
0x84: {  	_ =	shalt  }
0x85: {  	_ =	shalt  }
0x86: {  	_ =	shalt  }
0x87: {  	_ =	shalt  }
.Lfunc_end0:
.L_simem_size_0:
called_computation_lowered:
.L_overlay_start_0:
0x88: {  	s2 =	sld [smem:$0x3FD9]  }
0x89: {  	s3 =	sld [smem:$0x3FFE];
	_ =	sdelay $0x1  }
0x8a: {  	s1 =	srdreg.scid  }
0x8b: {  	s0 =	sand.u32 $0x1, s1  }
0x8c: {  	s17 =	sshll.u32 s0, $0xA;
	s2 =	sadd.s32 s3, s2  }
0x8d: {  	s2 =	sadd.s32 s2, s17  }
0x8e: {  	[smem:$0x3FC7] =	sst s2  }
0x8f: {  	_ = 	snop  }
0x90: {  	s2 =	sld [smem:$0x3FC9]  }
0x91: {  	s18 =	sld [smem:$0x3FD0];
	(tm) =	ssettm $0x1  }
0x92: {  	s4 =	sld [smem:$0x3FFB];
	_ =	sdelay $0x3  }
0x93: {  	_ =	strace s4  }
0x94: {  	s4 =	sld [smem:$0x3FFC];
	_ =	sdelay $0x3  }
0x95: {  	_ =	strace s4  }
0x96: {  	s4 =	sld [smem:$0x3FFD];
	_ =	sdelay $0x3  }
0x97: {  	_ =	strace s4  }
0x98: {  	_ =	strace $0x8FFFFFFF  }
0x99: {  	s19 =	sld [smem:$0x3FDB];
	_ =	sdelay $0x1  }
0x9a: {  	s5 =	simm.s32 $_scs_section_size  }
0x9b: {  	s6 =	simm.s32 $_size__tile_overlayer_lowered;
	s7 =	simm.s32 $_tile_overlayer_lowered  }
0x9c: {  	s22 =	simm.s32 $0x1BFF;
	s21 =	sshll.u32 s7, $0x1;
	s4 =	sadd.s32 s5, s19  }
0x9d: {  	s8 =	simm.s32 $0x0;
	s20 =	sshll.u32 s6, $0x1;
	s6 =	sadd.s32 s21, s4  }
0x9e: {  	[timem:s8], [sflag:s22] =	dma.local [hbm:s6], s20  }
0x9f: {  	_ =	swait.ge [sflag:s22], s20  }
0xa0: {  	s5 =	ssub.s32 $0x0, s20;
	[sflag:s22] =	ssyncset.done $0x0  }
0xa1: {  	[sflag:s22] =	ssyncadd.s32 s5;
	_ =	sdelay $0x1  }
0xa2: {  	s23 =	simm.s32 $0x1B8B  }
0xa3: {  	_ =	swait.ge [sflag:s23], $0x1  }
0xa4: {  	[sflag:s23] =	ssyncset.done $0x0  }
0xa5: {  	s25 =	simm.s32 $0x1B8E;
	s24 =	sld [smem:$0x3FFE];
	[sflag:s23] =	ssyncadd.s32 $0xFFFFFFFF  }
0xa6: {  	s26 =	simm.s32 $execute0_lowered;
	[smem:$0x3FD2] =	sst s25  }
0xa7: {  	s6 =	sshll.u32 s26, $0x1;
	_ =	strace $0x80000046;
	[dreg:$0x1] =	wrdreg $0xFFFFFFFF  }
0xa8: {  	s28 =	simm.s32 $_size_execute0_lowered;
	s4 =	sadd.s32 s4, s6;
	[dreg:$0x0] =	wrdreg $0x0  }
0xa9: {  	s6 =	sshll.u32 s28, $0x1;
	[dreg:$0x2] =	wrdreg s4  }
0xaa: {  	[dreg:$0x3] =	wrdreg s6  }
0xab: {  	[dreg:$0x4] =	wrdreg $0xC0  }
0xac: {  	_ =	task [dreg:s8], $0x5FFFF  }
0xad: {  	[dreg:$0x1] =	wrdreg $0xFFFFFFFF  }
0xae: {  	[dreg:$0x0] =	wrdreg $0x60  }
0xaf: {  	[dreg:$0x2] =	wrdreg s2  }
0xb0: {  	[dreg:$0x3] =	wrdreg s24  }
0xb1: {  	[dreg:$0x4] =	wrdreg s18  }
0xb2: {  	[dreg:$0x5] =	wrdreg $0x9  }
0xb3: {  	_ =	task.clear_ibuf [dreg:s8], $0x6FFFF;
	_ =	strace $0x90000046  }
0xb4: {  	s29 =	simm.s32 $0x9;
	_ =	strace $0x80000048  }
0xb5: {  	_ =	swait.ge [sflag:s29], $0x1  }
0xb6: {  	[sflag:s29] =	ssyncadd.s32 $0xFFFFFFFF  }
0xb7: {  	_ =	strace $0x90000048  }
0xb8: {  	_ =	sfence  }
0xb9: {  	s30 =	sld [smem:$0x0];
	_ =	sdelay $0x2  }
0xba: {  	s31 =	sshll.u32 s1, $0xD;
	s1 =	sshrl.u32 s1, $0x2  }
0xbb: {  	s3 =	sand.u32 $0x4000, s31;
	s1 =	sadd.s32 s1, s30  }
0xbc: {  	s0 =	sor.u32 s3, s0;
	s1 =	sshll.u32 s1, $0x11  }
0xbd: {  	s0 =	sor.u32 s1, s0  }
0xbe: {  	s0 =	sadd.s32 $0x8F2B, s0  }
0xbf: {  	[sflag:s0] =	ssyncadd.remote.s32 $0x1  }
0xc0: {  	_ =	sfence.sel $0xFFFF  }
0xc1: {  	[dreg:$0x0] =	wrdreg $0xFFFFFFFF;
	(pc) =	sbr.abs _section_cstart, $3  }
0xc2: {  	[dreg:$0x1] =	wrdreg $0xFFFFFFFF  }
0xc3: {  	_ =	task.clear_ibuf [dreg:s8], $0x2FFFF;
	_ =	strace $0x9FFFFFFF  }
0xc4: {  	(tm) =	ssettm $0x7FFFFFFF  }
0xc5: {  	_ =	shalt  }
tec
execute0_lowered:
.L_overlay_start_1:
0x0: {  	(tag) =	ssettag $0x1  }
0x1: {  	s5 =	rddreg [dreg:$0x0]  }
0x2: {  	s1 =	srdreg.scid;
	s6 =	rddreg [dreg:$0x1]  }
0x3: {  	s0 =	stileid.u32;
	s2 =	rddreg [dreg:$0x2];
	s3 =	simm.s32 $0x0  }
0x4: {  	s10 =	simm.s32 $0x8000;
	s11 =	simm.s32 $0x800;
	s12 =	simm.s32 $0xC00  }
0x5: {  	s13 =	simm.s32 $0x7000;
	s14 =	simm.s32 $0x1;
	s15 =	simm.s32 $0x2  }
0x6: {  	s16 =	simm.s32 $0x0;
	s7 =	sand.u32 $0x1, s1;
	s4 =	sshll.u32 s0, $0xB  }
.Ltmp0:
0x7: {  	s1 =	rddreg [dreg:$0x3];
	s8 =	sshll.u32 s7, $0xA;
	(pc) =	sbr.rel .LBB2_1-.Ltmp0, $4  }
0x8: {  	v0 =	vlaneseq.u32;
	[smem:$0x7FF] =	sst s3;
	s7 =	ssub.s32 $0x2, s7;
	s4 =	sor.u32 s8, s4  }
0x9: {  	v1 =	vimm.f32 $1.000000000e+00;
	v9 =	vimm.f32 $0.0e+00;
	s6 =	sadd.s32 $0x400, s6;
	v2 =	vor.u32 $0x10, v0;
	s9 =	sshrl.u32 s7, $0x1;
	s8 =	sshrl.u32 s4, $0x3  }
0xa: {  	v3 =	vor.u32 $0x20, v0;
	v4 =	vor.u32 $0x30, v0;
	v5 =	vor.u32 $0x40, v0;
	_ =	strace $0x80000047;
	s31 =	ssub.s32 s7, s9;
	s5 =	sadd.s32 s5, s8  }
0xb: {  	v6 =	vor.u32 $0x50, v0;
	v7 =	vor.u32 $0x60, v0;
	v8 =	vor.u32 $0x70, v0;
	s9 =	simm.s32 $0x400;
	s8 =	smax.u32 s31, $0x1;
	s7 =	sadd.s32 $0x2000, s5  }
.LBB2_7:
0xc: {  	s16 =	sadd.s32 $0x1, s16  }
0xd: {  	_ =	swait.ge [sflag:s14], $0x6400;
	p0 =	sne.s32 s16, s8  }
.Ltmp1:
0xe: {  	[sflag:s14] =	ssyncset.done $0x0;
	(pc) =	sbr.rel @!p0 .LBB2_8-.Ltmp1, $4  }
0xf: {  	[sflag:s14] =	ssyncadd.s32 $0xFFFF9C00  }
0x10: {  	_ =	swait.ge [sflag:s15], $0x6400  }
0x11: {  	[sflag:s15] =	ssyncset.done $0x0  }
0x12: {  	[sflag:s15] =	ssyncadd.s32 $0xFFFF9C00  }
.LBB2_1:
0x13: {  	[tilespmem:s3], [sflag:$0x1] =	stream.strided.gather [hbm4b:s5+s9], $0x800, s10, s9, $0x38;
	[tilespmem:$0xD400] =	vst v63  }
0x14: {  	_ = 	snop  }
0x15: {  	[tilespmem:s11], [sflag:$0x1] =	stream.linear.gather [hbm4b:s7+s3], $0x200, $0x38;
	[tilespmem:$0xD400] =	vst v63  }
0x16: {  	_ = 	snop  }
0x17: {  	[tilespmem:s12], [sflag:$0x2] =	stream.linear.gather [hbm4b:s6+s3], $0x6400, $0x38;
	[tilespmem:$0xD400] =	vst v63  }
0x18: {  	_ = 	snop  }
0x19: {  	[tilespmem:s13], [sflag:$0x2] =	stream.linear.gather [hbm4b:s6+s3], $0x6400, $0x38;
	[tilespmem:$0xD400] =	vst v63  }
0x1a: {  	_ =	swait.ge [sflag:s14], $0xA00  }
0x1b: {  	[sflag:s14] =	ssyncset.done $0x0  }
0x1c: {  	[sflag:s14] =	ssyncadd.s32 $0xFFFFF600  }
0x1d: {  	_ =	swait.ge [sflag:s15], $0x6400  }
.Ltmp2:
0x1e: {  	[sflag:s15] =	ssyncset.done $0x0;
	(pc) =	sbr.rel .LBB2_2-.Ltmp2, $4  }
0x1f: {  	[sflag:s15] =	ssyncadd.s32 $0xFFFF9C00  }
0x20: {  	_ =	swait.ge [sflag:s15], $0x6400  }
0x21: {  	[sflag:s15] =	ssyncset.done $0x0  }
0x22: {  	s17 =	simm.s32 $0x0;
	[sflag:s15] =	ssyncadd.s32 $0xFFFF9C00  }
.LBB2_6:
0x23: {  	s18 =	sor.u32 $0x1, s17  }
0x24: {  	s19 =	sand.u32 $0xFF, s18  }
0x25: {  	s19 =	smul.u32 $0xCD, s19;
	_ =	sdelay $0x1  }
0x26: {  	s19 =	sshrl.u32 s19, $0xA  }
0x27: {  	s21 =	sshll.u32 s19, $0x7  }
0x28: {  	v10 =	vld [tilespmem:s21+$0x0]  }
0x29: {  	v11 =	vld [tilespmem:s21+$0x10]  }
0x2a: {  	s20 =	smul.u32 $0x5, s19;
	v12 =	vld [tilespmem:s21+$0x20]  }
0x2b: {  	v13 =	vld [tilespmem:s21+$0x30]  }
0x2c: {  	v14 =	vld [tilespmem:s21+$0x40];
	s18 =	ssub.s32 s18, s20  }
0x2d: {  	v16 =	vld [tilespmem:s21+$0x50];
	s18 =	sand.u32 $0xFF, s18  }
0x2e: {  	v17 =	vld [tilespmem:s21+$0x60];
	s31 =	smul.u32 $0xC8, s18  }
0x2f: {  	v18 =	vld [tilespmem:s21+$0x70]  }
0x30: {  	v15 =	vmov s31  }
0x31: {  	v10 =	vsub.s32 v10, v15  }
0x32: {  	v11 =	vsub.s32 v11, v15;
	v12 =	vsub.s32 v12, v15;
	v13 =	vsub.s32 v13, v15  }
0x33: {  	v14 =	vsub.s32 v14, v15;
	v16 =	vsub.s32 v16, v15;
	v17 =	vsub.s32 v17, v15  }
0x34: {  	v15 =	vsub.s32 v18, v15;
	vm0 =	vlt.u32 v10, $0xC8;
	v10 =	vshll.u32 v10, $0x7  }
0x35: {  	vm1 =	vlt.u32 v11, $0xC8;
	v11 =	vshll.u32 v11, $0x7;
	v10 =	vor.u32 v0, v10  }
0x36: {  	vm2 =	vlt.u32 v12, $0xC8;
	v12 =	vshll.u32 v12, $0x7;
	v11 =	vor.u32 v2, v11  }
0x37: {  	vm3 =	vlt.u32 v13, $0xC8;
	v13 =	vshll.u32 v13, $0x7;
	v12 =	vor.u32 v3, v12  }
0x38: {  	vm4 =	vlt.u32 v14, $0xC8;
	v14 =	vshll.u32 v14, $0x7;
	v13 =	vor.u32 v4, v13  }
0x39: {  	vm5 =	vlt.u32 v16, $0xC8;
	v16 =	vshll.u32 v16, $0x7;
	v14 =	vor.u32 v5, v14  }
0x3a: {  	vm6 =	vlt.u32 v17, $0xC8;
	v62 =	vshll.u32 v17, $0x7;
	[tilespmem:v10+s13+$0x0] =	vst.idx.msk vm0, v1;
	v10 =	vor.u32 v6, v16  }
0x3b: {  	s19 =	smul.u32 $0x3E8000, s19;
	vm15 =	vlt.u32 v15, $0xC8;
	v15 =	vshll.u32 v15, $0x7;
	[tilespmem:v11+s13+$0x0] =	vst.idx.msk vm1, v1;
	v11 =	vor.u32 v7, v62  }
0x3c: {  	s17 =	sadd.s32 $0x2, s17;
	s18 =	smul.u32 $0xC8000, s18;
	v63 =	vor.u32 v8, v15;
	[tilespmem:v12+s13+$0x0] =	vst.idx.msk vm2, v1  }
0x3d: {  	p0 =	sne.s32 s17, $0x64;
	[tilespmem:v13+s13+$0x0] =	vst.idx.msk vm3, v1  }
.Ltmp3:
0x3e: {  	s18 =	sadd.s32 s18, s19;
	[tilespmem:v14+s13+$0x0] =	vst.idx.msk vm4, v1;
	(pc) =	sbr.rel @!p0 .LBB2_7-.Ltmp3, $4  }
0x3f: {  	s18 =	sor.u32 s4, s18;
	[tilespmem:v10+s13+$0x0] =	vst.idx.msk vm5, v1  }
0x40: {  	s18 =	sshrl.u32 s18, $0x3;
	[tilespmem:v11+s13+$0x0] =	vst.idx.msk vm6, v1  }
0x41: {  	s18 =	sadd.s32 s2, s18;
	[tilespmem:v63+s13+$0x0] =	vst.idx.msk vm15, v1  }
0x42: {  	[hbm4b:s18+s9] =	stream.strided.scatter [tilespmem:s13], [sflag:$0x2], $0x6400, s10, s9, $0x38;
	[tilespmem:$0xD400] =	vst v63  }
.LBB2_2:
0x43: {  	p0 =	seq.s32 s17, $0x0  }
.Ltmp4:
0x44: {  	_ = 	snop;
	(pc) =	sbr.rel @p0 .LBB2_4-.Ltmp4, $1  }
0x45: {  	_ =	sdelay $0x3  }
0x46: {  	s18 =	sadd.s32 $0xFFFFFFFE, s17  }
0x47: {  	s19 =	sshll.u32 s18, $0x18  }
0x48: {  	s19 =	sshra.s32 s19, $0x18  }
0x49: {  	s19 =	smul.u32 $0x67, s19;
	_ =	sdelay $0x1  }
0x4a: {  	s20 =	sshrl.u32 s19, $0x1F;
	s19 =	sshra.s32 s19, $0x9  }
0x4b: {  	s19 =	sadd.s32 s20, s19  }
0x4c: {  	s20 =	smul.u32 $0xFFFFFFFB, s19;
	_ =	sdelay $0x1  }
0x4d: {  	s18 =	sadd.s32 s18, s20  }
0x4e: {  	s20 =	sand.u32 $0xFF, s18  }
0x4f: {  	p1 =	seq.s32 s17, $0x2;
	p2 =	sne.s32 s20, $0x0  }
0x50: {  	p1 =	por !p1, !p2  }
0x51: {  	s20 =	simm.s32 $0x1;
	p1 =	por !p1, !p1  }
0x52: {  	s20 =	simm.s32 @!p1 $0x0  }
0x53: {  	_ =	swait.ge [sflag:s14], $0x6400;
	s19 =	ssub.s32 s19, s20  }
0x54: {  	[sflag:s14] =	ssyncset.done $0x0;
	s19 =	sshll.u32 s19, $0x9  }
0x55: {  	[sflag:s14] =	ssyncadd.s32 $0xFFFF9C00;
	s19 =	sshra.s32 s19, $0x2  }
0x56: {  	v10 =	vld [tilespmem:s19+$0x0]  }
0x57: {  	v11 =	vld [tilespmem:s19+$0x10]  }
0x58: {  	s18 =	sshll.u32 s18, $0x18;
	v12 =	vld [tilespmem:s19+$0x20]  }
0x59: {  	s18 =	sshra.s32 s18, $0x18;
	v13 =	vld [tilespmem:s19+$0x30]  }
0x5a: {  	p1 =	slt.s32 s18, $0x0;
	s20 =	sadd.s32 $0x5, s18;
	v14 =	vld [tilespmem:s19+$0x40]  }
0x5b: {  	s18 =	smov.u32 @p1 s20;
	v16 =	vld [tilespmem:s19+$0x50]  }
0x5c: {  	s18 =	smul.u32 $0xC8, s18;
	v17 =	vld [tilespmem:s19+$0x60]  }
0x5d: {  	v18 =	vld [tilespmem:s19+$0x70]  }
0x5e: {  	v15 =	vmov s18  }
0x5f: {  	v10 =	vsub.s32 v10, v15  }
0x60: {  	v11 =	vsub.s32 v11, v15;
	v12 =	vsub.s32 v12, v15;
	v13 =	vsub.s32 v13, v15  }
0x61: {  	v14 =	vsub.s32 v14, v15;
	v16 =	vsub.s32 v16, v15;
	v17 =	vsub.s32 v17, v15  }
0x62: {  	v15 =	vsub.s32 v18, v15;
	vm0 =	vlt.u32 v10, $0xC8;
	v10 =	vshll.u32 v10, $0x7  }
0x63: {  	vm1 =	vlt.u32 v11, $0xC8;
	v11 =	vshll.u32 v11, $0x7;
	v10 =	vor.u32 v0, v10  }
0x64: {  	vm2 =	vlt.u32 v12, $0xC8;
	v12 =	vshll.u32 v12, $0x7;
	v11 =	vor.u32 v2, v11  }
0x65: {  	vm3 =	vlt.u32 v13, $0xC8;
	v13 =	vshll.u32 v13, $0x7;
	v12 =	vor.u32 v3, v12  }
0x66: {  	vm4 =	vlt.u32 v14, $0xC8;
	v14 =	vshll.u32 v14, $0x7;
	v13 =	vor.u32 v4, v13  }
0x67: {  	vm5 =	vlt.u32 v16, $0xC8;
	v16 =	vshll.u32 v16, $0x7;
	v14 =	vor.u32 v5, v14  }
0x68: {  	vm6 =	vlt.u32 v17, $0xC8;
	v62 =	vshll.u32 v17, $0x7;
	[tilespmem:v10+s12+$0x0] =	vst.idx.msk vm0, v9;
	v10 =	vor.u32 v6, v16  }
0x69: {  	vm15 =	vlt.u32 v15, $0xC8;
	v15 =	vshll.u32 v15, $0x7;
	[tilespmem:v11+s12+$0x0] =	vst.idx.msk vm1, v9;
	v11 =	vor.u32 v7, v62  }
0x6a: {  	v63 =	vor.u32 v8, v15;
	[tilespmem:v12+s12+$0x0] =	vst.idx.msk vm2, v9  }
0x6b: {  	[tilespmem:v13+s12+$0x0] =	vst.idx.msk vm3, v9  }
0x6c: {  	[tilespmem:v14+s12+$0x0] =	vst.idx.msk vm4, v9  }
0x6d: {  	[tilespmem:v10+s12+$0x0] =	vst.idx.msk vm5, v9  }
0x6e: {  	[tilespmem:v11+s12+$0x0] =	vst.idx.msk vm6, v9  }
0x6f: {  	[tilespmem:v63+s12+$0x0] =	vst.idx.msk vm15, v9  }
.LBB2_4:
0x70: {  	s18 =	sand.u32 $0xFF, s17  }
0x71: {  	s18 =	smul.u32 $0xCD, s18;
	_ =	sdelay $0x1  }
0x72: {  	s18 =	sshrl.u32 s18, $0xA  }
0x73: {  	s20 =	sshll.u32 s18, $0x7  }
0x74: {  	v10 =	vld [tilespmem:s20+$0x0]  }
0x75: {  	v11 =	vld [tilespmem:s20+$0x10]  }
0x76: {  	s19 =	smul.u32 $0x5, s18;
	v12 =	vld [tilespmem:s20+$0x20]  }
0x77: {  	v13 =	vld [tilespmem:s20+$0x30]  }
0x78: {  	v14 =	vld [tilespmem:s20+$0x40];
	s19 =	ssub.s32 s17, s19  }
0x79: {  	v16 =	vld [tilespmem:s20+$0x50];
	s19 =	sand.u32 $0xFF, s19  }
0x7a: {  	v17 =	vld [tilespmem:s20+$0x60];
	s21 =	smul.u32 $0xC8, s19  }
0x7b: {  	v18 =	vld [tilespmem:s20+$0x70]  }
0x7c: {  	v15 =	vmov s21  }
0x7d: {  	v10 =	vsub.s32 v10, v15  }
0x7e: {  	v11 =	vsub.s32 v11, v15;
	v12 =	vsub.s32 v12, v15;
	v13 =	vsub.s32 v13, v15  }
0x7f: {  	v14 =	vsub.s32 v14, v15;
	v16 =	vsub.s32 v16, v15;
	v17 =	vsub.s32 v17, v15  }
0x80: {  	v15 =	vsub.s32 v18, v15;
	vm0 =	vlt.u32 v10, $0xC8;
	v10 =	vshll.u32 v10, $0x7  }
0x81: {  	vm1 =	vlt.u32 v11, $0xC8;
	v11 =	vshll.u32 v11, $0x7;
	v10 =	vor.u32 v0, v10  }
0x82: {  	vm2 =	vlt.u32 v12, $0xC8;
	v12 =	vshll.u32 v12, $0x7;
	v11 =	vor.u32 v2, v11  }
0x83: {  	vm3 =	vlt.u32 v13, $0xC8;
	v13 =	vshll.u32 v13, $0x7;
	v12 =	vor.u32 v3, v12  }
0x84: {  	vm4 =	vlt.u32 v14, $0xC8;
	v14 =	vshll.u32 v14, $0x7;
	v13 =	vor.u32 v4, v13  }
0x85: {  	vm5 =	vlt.u32 v16, $0xC8;
	v16 =	vshll.u32 v16, $0x7;
	v14 =	vor.u32 v5, v14  }
0x86: {  	vm6 =	vlt.u32 v17, $0xC8;
	v62 =	vshll.u32 v17, $0x7;
	[tilespmem:v10+s12+$0x0] =	vst.idx.msk vm0, v1;
	v10 =	vor.u32 v6, v16  }
0x87: {  	s18 =	smul.u32 $0x3E8000, s18;
	vm15 =	vlt.u32 v15, $0xC8;
	v15 =	vshll.u32 v15, $0x7;
	[tilespmem:v11+s12+$0x0] =	vst.idx.msk vm1, v1;
	v11 =	vor.u32 v7, v62  }
0x88: {  	s19 =	smul.u32 $0xC8000, s19;
	v63 =	vor.u32 v8, v15;
	[tilespmem:v12+s12+$0x0] =	vst.idx.msk vm2, v1  }
0x89: {  	[tilespmem:v13+s12+$0x0] =	vst.idx.msk vm3, v1  }
.Ltmp5:
0x8a: {  	s18 =	sadd.s32 s19, s18;
	[tilespmem:v14+s12+$0x0] =	vst.idx.msk vm4, v1;
	(pc) =	sbr.rel @p0 .LBB2_6-.Ltmp5, $4  }
0x8b: {  	s18 =	sor.u32 s4, s18;
	[tilespmem:v10+s12+$0x0] =	vst.idx.msk vm5, v1  }
0x8c: {  	s18 =	sshrl.u32 s18, $0x3;
	[tilespmem:v11+s12+$0x0] =	vst.idx.msk vm6, v1  }
0x8d: {  	s18 =	sadd.s32 s2, s18;
	[tilespmem:v63+s12+$0x0] =	vst.idx.msk vm15, v1  }
0x8e: {  	[hbm4b:s18+s9] =	stream.strided.scatter [tilespmem:s12], [sflag:$0x1], $0x6400, s10, s9, $0x38;
	[tilespmem:$0xD400] =	vst v63  }
0x8f: {  	s18 =	sadd.s32 $0xFFFFFFFF, s17  }
0x90: {  	s19 =	sshll.u32 s18, $0x18  }
0x91: {  	s19 =	sshra.s32 s19, $0x18  }
0x92: {  	s19 =	smul.u32 $0x67, s19;
	_ =	sdelay $0x1  }
0x93: {  	s20 =	sshrl.u32 s19, $0x1F;
	s19 =	sshra.s32 s19, $0x9  }
0x94: {  	_ =	swait.ge [sflag:s15], $0x6400;
	s19 =	sadd.s32 s20, s19  }
0x95: {  	[sflag:s15] =	ssyncset.done $0x0;
	s20 =	smul.u32 $0xFFFFFFFB, s19;
	s19 =	sshll.u32 s19, $0x9  }
0x96: {  	[sflag:s15] =	ssyncadd.s32 $0xFFFF9C00;
	s19 =	sshra.s32 s19, $0x2  }
0x97: {  	v10 =	vld [tilespmem:s19+$0x0]  }
0x98: {  	s18 =	sadd.s32 s18, s20;
	v11 =	vld [tilespmem:s19+$0x10]  }
0x99: {  	v12 =	vld [tilespmem:s19+$0x20];
	s18 =	sshll.u32 s18, $0x18  }
0x9a: {  	v13 =	vld [tilespmem:s19+$0x30];
	s18 =	sshra.s32 s18, $0x18  }
0x9b: {  	v14 =	vld [tilespmem:s19+$0x40];
	p0 =	slt.s32 s18, $0x0;
	s20 =	sadd.s32 $0x5, s18  }
0x9c: {  	v16 =	vld [tilespmem:s19+$0x50];
	s18 =	smov.u32 @p0 s20  }
0x9d: {  	v17 =	vld [tilespmem:s19+$0x60];
	s18 =	smul.u32 $0xC8, s18  }
0x9e: {  	v18 =	vld [tilespmem:s19+$0x70]  }
0x9f: {  	v15 =	vmov s18  }
0xa0: {  	v10 =	vsub.s32 v10, v15  }
0xa1: {  	v11 =	vsub.s32 v11, v15;
	v12 =	vsub.s32 v12, v15;
	v13 =	vsub.s32 v13, v15  }
0xa2: {  	v14 =	vsub.s32 v14, v15;
	v16 =	vsub.s32 v16, v15;
	v17 =	vsub.s32 v17, v15  }
0xa3: {  	v15 =	vsub.s32 v18, v15;
	vm0 =	vlt.u32 v10, $0xC8;
	v10 =	vshll.u32 v10, $0x7  }
0xa4: {  	vm1 =	vlt.u32 v11, $0xC8;
	v11 =	vshll.u32 v11, $0x7;
	v10 =	vor.u32 v0, v10  }
0xa5: {  	vm2 =	vlt.u32 v12, $0xC8;
	v12 =	vshll.u32 v12, $0x7;
	v11 =	vor.u32 v2, v11  }
0xa6: {  	vm3 =	vlt.u32 v13, $0xC8;
	v13 =	vshll.u32 v13, $0x7;
	v12 =	vor.u32 v3, v12  }
0xa7: {  	vm4 =	vlt.u32 v14, $0xC8;
	v14 =	vshll.u32 v14, $0x7;
	v13 =	vor.u32 v4, v13  }
0xa8: {  	vm5 =	vlt.u32 v16, $0xC8;
	v16 =	vshll.u32 v16, $0x7;
	v14 =	vor.u32 v5, v14  }
0xa9: {  	vm6 =	vlt.u32 v17, $0xC8;
	v62 =	vshll.u32 v17, $0x7;
	[tilespmem:v10+s13+$0x0] =	vst.idx.msk vm0, v9;
	v10 =	vor.u32 v6, v16  }
0xaa: {  	vm15 =	vlt.u32 v15, $0xC8;
	v15 =	vshll.u32 v15, $0x7;
	[tilespmem:v11+s13+$0x0] =	vst.idx.msk vm1, v9;
	v11 =	vor.u32 v7, v62  }
0xab: {  	v63 =	vor.u32 v8, v15;
	[tilespmem:v12+s13+$0x0] =	vst.idx.msk vm2, v9  }
.Ltmp6:
0xac: {  	[tilespmem:v13+s13+$0x0] =	vst.idx.msk vm3, v9;
	(pc) =	sbr.rel .LBB2_6-.Ltmp6, $4  }
0xad: {  	[tilespmem:v14+s13+$0x0] =	vst.idx.msk vm4, v9  }
0xae: {  	[tilespmem:v10+s13+$0x0] =	vst.idx.msk vm5, v9  }
0xaf: {  	[tilespmem:v11+s13+$0x0] =	vst.idx.msk vm6, v9  }
0xb0: {  	[tilespmem:v63+s13+$0x0] =	vst.idx.msk vm15, v9  }
.LBB2_8:
0xb1: {  	_ =	sfence.sel $0x180000  }
0xb2: {  	[bflag:$0x0] =	sbarrier.arrive $0xFFFF  }
0xb3: {  	p0 =	sne.s32 s0, $0x0;
	_ =	strace $0x90000047  }
0xb4: {  	s0 =	sadd.s32 @!p0 $0x100000, s1;
	[bflag:$0x2] =	sbarrier.arrive $0xFFFF  }
0xb5: {  	[sflag:s0] =	ssyncadd.tile.s32 @!p0 $0x1;
	_ =	shalt  }
.Lfunc_end2:
_tile_overlayer_lowered:
.L_overlay_start_2:
0xb6: {  	(tag) =	ssettag $0x2  }
0xb7: {  	s0 =	rddreg [dreg:$0x0];
	s2 =	stileid.u32  }
0xb8: {  	s1 =	rddreg [dreg:$0x1];
	p0 =	sne.s32 s2, $0x0  }
0xb9: {  	s3 =	rddreg [dreg:$0x2];
	[bflag:$0x3] =	sbarrier.arrive $0xFFFF;
	s2 =	simm.s32 @!p0 $0x1C03  }
0xba: {  	[timem:s3], [sflag:s2] =	dma.local @!p0 [hbm:s0], s1  }
0xbb: {  	s0 =	simm.s32 @!p0 $0x3  }
0xbc: {  	_ =	swait.ge @!p0 [sflag:s0], s1  }
0xbd: {  	s1 =	ssub.s32 @!p0 $0x0, s1;
	[sflag:s0] =	ssyncset.done @!p0 $0x0  }
0xbe: {  	[sflag:s0] =	ssyncadd.s32 @!p0 s1  }
0xbf: {  	[bflag:$0x3] =	sbarrier.arrive $0xFFFF  }
0xc0: {  	_ =	shalt  }

</sc_bundles>
